<compile_context>
chip_gen: v7x
topology: tpu7x:2x2x1
jax: 0.10.2.dev20260603
libtpu: 0.0.44.dev20260713+nightly
codegen_flags: <defaults>
</compile_context>

<pallas_src>
import functools

import jax
import jax.numpy as jnp
from jax import lax
from jax.experimental import pallas as pl
from jax.experimental.pallas import tpu as pltpu
from jax.experimental.pallas import tpu_sc as plsc

B = 4
C_IN = 512
C_OUT = 384
D = 8192
NROWS_OUT = B * C_OUT
NW = 32
ROWS_PER_TILE = NROWS_OUT // NW
CHUNK = 2
NCHUNK = ROWS_PER_TILE // CHUNK
NBUF = 7
LANES = 16

_mesh = plsc.VectorSubcoreMesh(core_axis_name="c", subcore_axis_name="s")


@functools.partial(
    pl.kernel,
    mesh=_mesh,
    compiler_params=pltpu.CompilerParams(
        skip_device_barrier=True,
        disable_bounds_checks=True,
        disable_semaphore_checks=True,
    ),
    out_type=jax.ShapeDtypeStruct((NROWS_OUT, D), jnp.float32),
    scratch_types=[
        pltpu.VMEM((NCHUNK, CHUNK), jnp.int32),
        *[pltpu.VMEM((CHUNK, D), jnp.float32) for _ in range(NBUF)],
        pltpu.SemaphoreType.DMA,
        *[pltpu.SemaphoreType.DMA for _ in range(2 * NBUF)],
    ],
)
def _sc_gather(table_hbm, idx_hbm, out_hbm, idx2, *bufs_and_sems):
    bufs = bufs_and_sems[:NBUF]
    isem = bufs_and_sems[NBUF]
    gsems = bufs_and_sems[NBUF + 1:2 * NBUF + 1]
    ssems = bufs_and_sems[2 * NBUF + 1:]
    wid = lax.axis_index("s") * 2 + lax.axis_index("c")
    base = wid * ROWS_PER_TILE
    jstart = base % C_OUT
    row_off = (base // C_OUT) * C_IN
    batch_tbl = table_hbm.at[pl.ds(row_off, C_IN)]
    pltpu.async_copy(idx_hbm.at[jstart // ROWS_PER_TILE], idx2, isem).wait()

    gathers = [None] * NBUF
    scatters = [None] * NBUF

    for p in range(3):
        gathers[p] = pltpu.async_copy(
            batch_tbl.at[idx2.at[p]], bufs[p], gsems[p])
    for c in range(NCHUNK):
        nxt = c + 3
        if nxt < NCHUNK:
            sn = nxt % NBUF
            if scatters[sn] is not None:
                scatters[sn].wait()
                scatters[sn] = None
            gathers[sn] = pltpu.async_copy(
                batch_tbl.at[idx2.at[nxt]], bufs[sn], gsems[sn])
        s = c % NBUF
        gathers[s].wait()
        scatters[s] = pltpu.async_copy(
            bufs[s], out_hbm.at[pl.ds(base + c * CHUNK, CHUNK)], ssems[s])
    for s in range(NBUF):
        if scatters[s] is not None:
            scatters[s].wait()


def kernel(x, indices):
    table = x.reshape(B * C_IN, D)
    out = _sc_gather(
        table, indices.reshape(C_OUT // ROWS_PER_TILE, NCHUNK, CHUNK))
    return out.reshape(B, C_OUT, D)

# --- scband reference (transcript-rebuilt; emitter-appended) ---
"""Pipeline reference for scband-connector-54339926229156 (READ-ONLY COPY).

The authoritative reference and input builder live on the scoring server;
editing this copy changes nothing except your own understanding.
"""

import jax, jax.numpy as jnp
import numpy as np


def setup_inputs(seed: int = 0) -> dict:
    key = jax.random.key(seed)
    k1, k2 = jax.random.split(key)
    # x: [batch, channels, features] -- channels get reordered by the Connector
    x = jax.random.normal(k1, (4, 512, 8192), dtype=jnp.float32)
    # indices: the precomputed channel-reordering map (self.indices in the torch module).
    # In the original module these come from matching semantic concepts between two
    # models; here we materialize them as an integer index vector selecting / reordering
    # 384 of the 512 upstream channels.
    indices = jax.random.randint(k2, (384,), 0, 512, dtype=jnp.int32)
    return {"x": x, "indices": indices}


def reference(x, indices):
    # Faithful translation of: return x[:, self.indices, :]
    # i.e. a gather along the channel (second) dimension.
    return jnp.take(x, indices, axis=1)

if __name__ == "__main__":
    import jax
    _d = setup_inputs()
    print(jax.jit(kernel)(*tuple(_d.values())))

</pallas_src>

<mosaic_0001>
#map = affine_map<(d0, d1) -> (0, 0)>
#map1 = affine_map<(d0, d1) -> (0, 0, 0)>
module attributes {stable_mosaic.version = 14 : i64} {
  func.func @_sc_gather(%arg0: i32, %arg1: i32, %arg2: memref<2048x8192xf32, #tpu.memory_space<hbm>>, %arg3: memref<8x24x2xi32, #tpu.memory_space<hbm>>, %arg4: memref<1536x8192xf32, #tpu.memory_space<hbm>>, %arg5: memref<24x2xi32, #tpu.memory_space<vmem>>, %arg6: memref<2x8192xf32, #tpu.memory_space<vmem>>, %arg7: memref<2x8192xf32, #tpu.memory_space<vmem>>, %arg8: memref<2x8192xf32, #tpu.memory_space<vmem>>, %arg9: memref<2x8192xf32, #tpu.memory_space<vmem>>, %arg10: memref<2x8192xf32, #tpu.memory_space<vmem>>, %arg11: memref<2x8192xf32, #tpu.memory_space<vmem>>, %arg12: memref<2x8192xf32, #tpu.memory_space<vmem>>, %arg13: memref<!tpu.dma_semaphore, #tpu.memory_space<semaphore_mem>>, %arg14: memref<!tpu.dma_semaphore, #tpu.memory_space<semaphore_mem>>, %arg15: memref<!tpu.dma_semaphore, #tpu.memory_space<semaphore_mem>>, %arg16: memref<!tpu.dma_semaphore, #tpu.memory_space<semaphore_mem>>, %arg17: memref<!tpu.dma_semaphore, #tpu.memory_space<semaphore_mem>>, %arg18: memref<!tpu.dma_semaphore, #tpu.memory_space<semaphore_mem>>, %arg19: memref<!tpu.dma_semaphore, #tpu.memory_space<semaphore_mem>>, %arg20: memref<!tpu.dma_semaphore, #tpu.memory_space<semaphore_mem>>, %arg21: memref<!tpu.dma_semaphore, #tpu.memory_space<semaphore_mem>>, %arg22: memref<!tpu.dma_semaphore, #tpu.memory_space<semaphore_mem>>, %arg23: memref<!tpu.dma_semaphore, #tpu.memory_space<semaphore_mem>>, %arg24: memref<!tpu.dma_semaphore, #tpu.memory_space<semaphore_mem>>, %arg25: memref<!tpu.dma_semaphore, #tpu.memory_space<semaphore_mem>>, %arg26: memref<!tpu.dma_semaphore, #tpu.memory_space<semaphore_mem>>, %arg27: memref<!tpu.dma_semaphore, #tpu.memory_space<semaphore_mem>>) attributes {dimension_semantics = [#tpu.dimension_semantics<core_parallel>, #tpu.dimension_semantics<subcore_parallel>], iteration_bounds = array<i64: 2, 16>, scalar_prefetch = 0 : i64, scratch_operands = 23 : i64, tpu.core_type = #tpu.core_type<sc_vector_subcore>, window_params = [{transform_indices = #map}, {transform_indices = #map1}, {transform_indices = #map}]} {
    %mul3A = arith.constant 2 : i32
    %mul3A_0 = arith.muli %arg1, %mul3A : i32
    %add3A = arith.addi %mul3A_0, %arg0 : i32
    %mul3A_1 = arith.constant 48 : i32
    %mul3A_2 = arith.muli %add3A, %mul3A_1 : i32
    %jit3A = arith.constant 384 : i32
    %eq3A = arith.constant 0 : i32
    %eq3A_3 = arith.cmpi eq, %jit3A, %eq3A : i32
    %jit3A_4 = arith.constant 1 : i32
    %select_n3A = arith.select %eq3A_3, %jit3A_4, %jit3A : i32
    %rem3A = arith.remsi %mul3A_2, %select_n3A : i32
    %ne3A = arith.constant 0 : i32
    %ne3A_5 = arith.cmpi ne, %rem3A, %ne3A : i32
    %lt3A = arith.constant 0 : i32
    %lt3A_6 = arith.cmpi slt, %rem3A, %lt3A : i32
    %lt3A_7 = arith.constant 0 : i32
    %lt3A_8 = arith.cmpi slt, %select_n3A, %lt3A_7 : i32
    %ne3A_9 = arith.xori %lt3A_6, %lt3A_8 : i1
    %and3A = arith.andi %ne3A_9, %ne3A_5 : i1
    %add3A_10 = arith.addi %rem3A, %select_n3A : i32
    %select_n3A_11 = arith.select %and3A, %add3A_10, %rem3A : i32
    %jit3A_12 = arith.constant 384 : i32
    %div3A = arith.divsi %mul3A_2, %jit3A_12 : i32
    %sign3A = arith.constant 0 : i32
    %sign3A_13 = arith.cmpi sgt, %mul3A_2, %sign3A : i32
    %sign3A_14 = arith.extui %sign3A_13 : i1 to i32
    %sign3A_15 = arith.constant 0 : i32
    %sign3A_16 = arith.cmpi slt, %mul3A_2, %sign3A_15 : i32
    %sign3A_17 = arith.extui %sign3A_16 : i1 to i32
    %sign3A_18 = arith.subi %sign3A_14, %sign3A_17 : i32
    %sign3A_19 = arith.constant 0 : i32
    %sign3A_20 = arith.cmpi sgt, %jit3A_12, %sign3A_19 : i32
    %sign3A_21 = arith.extui %sign3A_20 : i1 to i32
    %sign3A_22 = arith.constant 0 : i32
    %sign3A_23 = arith.cmpi slt, %jit3A_12, %sign3A_22 : i32
    %sign3A_24 = arith.extui %sign3A_23 : i1 to i32
    %sign3A_25 = arith.subi %sign3A_21, %sign3A_24 : i32
    %ne3A_26 = arith.cmpi ne, %sign3A_18, %sign3A_25 : i32
    %rem3A_27 = arith.remsi %mul3A_2, %jit3A_12 : i32
    %ne3A_28 = arith.constant 0 : i32
    %ne3A_29 = arith.cmpi ne, %rem3A_27, %ne3A_28 : i32
    %and3A_30 = arith.andi %ne3A_26, %ne3A_29 : i1
    %sub3A = arith.constant 1 : i32
    %sub3A_31 = arith.subi %div3A, %sub3A : i32
    %select_n3A_32 = arith.select %and3A_30, %sub3A_31, %div3A : i32
    %mul3A_33 = arith.constant 512 : i32
    %mul3A_34 = arith.muli %select_n3A_32, %mul3A_33 : i32
    %jit3A_35 = arith.constant 48 : i32
    %div3A_36 = arith.divsi %select_n3A_11, %jit3A_35 : i32
    %sign3A_37 = arith.constant 0 : i32
    %sign3A_38 = arith.cmpi sgt, %select_n3A_11, %sign3A_37 : i32
    %sign3A_39 = arith.extui %sign3A_38 : i1 to i32
    %sign3A_40 = arith.constant 0 : i32
    %sign3A_41 = arith.cmpi slt, %select_n3A_11, %sign3A_40 : i32
    %sign3A_42 = arith.extui %sign3A_41 : i1 to i32
    %sign3A_43 = arith.subi %sign3A_39, %sign3A_42 : i32
    %sign3A_44 = arith.constant 0 : i32
    %sign3A_45 = arith.cmpi sgt, %jit3A_35, %sign3A_44 : i32
    %sign3A_46 = arith.extui %sign3A_45 : i1 to i32
    %sign3A_47 = arith.constant 0 : i32
    %sign3A_48 = arith.cmpi slt, %jit3A_35, %sign3A_47 : i32
    %sign3A_49 = arith.extui %sign3A_48 : i1 to i32
    %sign3A_50 = arith.subi %sign3A_46, %sign3A_49 : i32
    %ne3A_51 = arith.cmpi ne, %sign3A_43, %sign3A_50 : i32
    %rem3A_52 = arith.remsi %select_n3A_11, %jit3A_35 : i32
    %ne3A_53 = arith.constant 0 : i32
    %ne3A_54 = arith.cmpi ne, %rem3A_52, %ne3A_53 : i32
    %and3A_55 = arith.andi %ne3A_51, %ne3A_54 : i1
    %sub3A_56 = arith.constant 1 : i32
    %sub3A_57 = arith.subi %div3A_36, %sub3A_56 : i32
    %select_n3A_58 = arith.select %and3A_55, %sub3A_57, %div3A_36 : i32
    %dma_start3A = arith.constant 0 : i32
    %dma_start3A_59 = arith.constant 0 : i32
    %dma_start3A_60 = tpu.memref_slice %arg3[%select_n3A_58, %dma_start3A, %dma_start3A_59] : memref<8x24x2xi32, #tpu.memory_space<hbm>> -> memref<1x24x2xi32, #tpu.memory_space<hbm>>
    %dma_start3A_61 = tpu.memref_squeeze %dma_start3A_60 : memref<1x24x2xi32, #tpu.memory_space<hbm>> -> memref<24x2xi32, #tpu.memory_space<hbm>>
    %dma_start3A_62 = arith.constant 0 : i32
    %dma_start3A_63 = arith.constant 0 : i32
    %dma_start3A_64 = tpu.memref_slice %arg3[%select_n3A_58, %dma_start3A_62, %dma_start3A_63] : memref<8x24x2xi32, #tpu.memory_space<hbm>> -> memref<1x24x2xi32, #tpu.memory_space<hbm>>
    %dma_start3A_65 = tpu.memref_squeeze %dma_start3A_64 : memref<1x24x2xi32, #tpu.memory_space<hbm>> -> memref<24x2xi32, #tpu.memory_space<hbm>>
    tpu.enqueue_dma source(%dma_start3A_65 : memref<24x2xi32, #tpu.memory_space<hbm>>) target(%arg5 : memref<24x2xi32, #tpu.memory_space<vmem>>) target_semaphore(%arg13 : memref<!tpu.dma_semaphore, #tpu.memory_space<semaphore_mem>>)
    %dma_wait3A = arith.constant 0 : i32
    %dma_wait3A_66 = arith.constant 0 : i32
    %dma_wait3A_67 = tpu.memref_slice %arg3[%select_n3A_58, %dma_wait3A, %dma_wait3A_66] : memref<8x24x2xi32, #tpu.memory_space<hbm>> -> memref<1x24x2xi32, #tpu.memory_space<hbm>>
    %dma_wait3A_68 = tpu.memref_squeeze %dma_wait3A_67 : memref<1x24x2xi32, #tpu.memory_space<hbm>> -> memref<24x2xi32, #tpu.memory_space<hbm>>
    %dma_wait3A_69 = arith.constant 0 : i32
    %dma_wait3A_70 = arith.constant 0 : i32
    %dma_wait3A_71 = tpu.memref_slice %arg3[%select_n3A_58, %dma_wait3A_69, %dma_wait3A_70] : memref<8x24x2xi32, #tpu.memory_space<hbm>> -> memref<1x24x2xi32, #tpu.memory_space<hbm>>
    %dma_wait3A_72 = tpu.memref_squeeze %dma_wait3A_71 : memref<1x24x2xi32, #tpu.memory_space<hbm>> -> memref<24x2xi32, #tpu.memory_space<hbm>>
    tpu.wait_dma2 semaphore(%arg13 : memref<!tpu.dma_semaphore, #tpu.memory_space<semaphore_mem>>) src(%dma_wait3A_72 : memref<24x2xi32, #tpu.memory_space<hbm>>) dst(%arg5 : memref<24x2xi32, #tpu.memory_space<vmem>>)
    %dma_start3A_73 = arith.constant 0 : i32
    %dma_start3A_74 = arith.constant 0 : i32
    %dma_start3A_75 = tpu.memref_slice %arg5[%dma_start3A_73, %dma_start3A_74] : memref<24x2xi32, #tpu.memory_space<vmem>> -> memref<1x2xi32, #tpu.memory_space<vmem>>
    %dma_start3A_76 = tpu.memref_squeeze %dma_start3A_75 : memref<1x2xi32, #tpu.memory_space<vmem>> -> memref<2xi32, #tpu.memory_space<vmem>>
    %dma_start3A_77 = arith.constant 0 : i32
    %dma_start3A_78 = tpu.memref_slice %arg2[%mul3A_34, %dma_start3A_77] : memref<2048x8192xf32, #tpu.memory_space<hbm>> -> memref<512x8192xf32, #tpu.memory_space<hbm>>
    %dma_start3A_79 = arith.constant 0 : i32
    %dma_start3A_80 = arith.constant 0 : i32
    %dma_start3A_81 = tpu.memref_slice %dma_start3A_78[%dma_start3A_79, %dma_start3A_80] : memref<512x8192xf32, #tpu.memory_space<hbm>> -> memref<512x8192xf32, #tpu.memory_space<hbm>>
    tpu.enqueue_indirect_dma source(%dma_start3A_81 : memref<512x8192xf32, #tpu.memory_space<hbm>>) target(%arg6 : memref<2x8192xf32, #tpu.memory_space<vmem>>) offsets(%dma_start3A_76 : memref<2xi32, #tpu.memory_space<vmem>>) semaphore(%arg14 : memref<!tpu.dma_semaphore, #tpu.memory_space<semaphore_mem>>)
    %dma_start3A_82 = arith.constant 1 : i32
    %dma_start3A_83 = arith.constant 0 : i32
    %dma_start3A_84 = tpu.memref_slice %arg5[%dma_start3A_82, %dma_start3A_83] : memref<24x2xi32, #tpu.memory_space<vmem>> -> memref<1x2xi32, #tpu.memory_space<vmem>>
    %dma_start3A_85 = tpu.memref_squeeze %dma_start3A_84 : memref<1x2xi32, #tpu.memory_space<vmem>> -> memref<2xi32, #tpu.memory_space<vmem>>
    %dma_start3A_86 = arith.constant 0 : i32
    %dma_start3A_87 = tpu.memref_slice %arg2[%mul3A_34, %dma_start3A_86] : memref<2048x8192xf32, #tpu.memory_space<hbm>> -> memref<512x8192xf32, #tpu.memory_space<hbm>>
    %dma_start3A_88 = arith.constant 0 : i32
    %dma_start3A_89 = arith.constant 0 : i32
    %dma_start3A_90 = tpu.memref_slice %dma_start3A_87[%dma_start3A_88, %dma_start3A_89] : memref<512x8192xf32, #tpu.memory_space<hbm>> -> memref<512x8192xf32, #tpu.memory_space<hbm>>
    tpu.enqueue_indirect_dma source(%dma_start3A_90 : memref<512x8192xf32, #tpu.memory_space<hbm>>) target(%arg7 : memref<2x8192xf32, #tpu.memory_space<vmem>>) offsets(%dma_start3A_85 : memref<2xi32, #tpu.memory_space<vmem>>) semaphore(%arg15 : memref<!tpu.dma_semaphore, #tpu.memory_space<semaphore_mem>>)
    %dma_start3A_91 = arith.constant 2 : i32
    %dma_start3A_92 = arith.constant 0 : i32
    %dma_start3A_93 = tpu.memref_slice %arg5[%dma_start3A_91, %dma_start3A_92] : memref<24x2xi32, #tpu.memory_space<vmem>> -> memref<1x2xi32, #tpu.memory_space<vmem>>
    %dma_start3A_94 = tpu.memref_squeeze %dma_start3A_93 : memref<1x2xi32, #tpu.memory_space<vmem>> -> memref<2xi32, #tpu.memory_space<vmem>>
    %dma_start3A_95 = arith.constant 0 : i32
    %dma_start3A_96 = tpu.memref_slice %arg2[%mul3A_34, %dma_start3A_95] : memref<2048x8192xf32, #tpu.memory_space<hbm>> -> memref<512x8192xf32, #tpu.memory_space<hbm>>
    %dma_start3A_97 = arith.constant 0 : i32
    %dma_start3A_98 = arith.constant 0 : i32
    %dma_start3A_99 = tpu.memref_slice %dma_start3A_96[%dma_start3A_97, %dma_start3A_98] : memref<512x8192xf32, #tpu.memory_space<hbm>> -> memref<512x8192xf32, #tpu.memory_space<hbm>>
    tpu.enqueue_indirect_dma source(%dma_start3A_99 : memref<512x8192xf32, #tpu.memory_space<hbm>>) target(%arg8 : memref<2x8192xf32, #tpu.memory_space<vmem>>) offsets(%dma_start3A_94 : memref<2xi32, #tpu.memory_space<vmem>>) semaphore(%arg16 : memref<!tpu.dma_semaphore, #tpu.memory_space<semaphore_mem>>)
    %dma_start3A_100 = arith.constant 3 : i32
    %dma_start3A_101 = arith.constant 0 : i32
    %dma_start3A_102 = tpu.memref_slice %arg5[%dma_start3A_100, %dma_start3A_101] : memref<24x2xi32, #tpu.memory_space<vmem>> -> memref<1x2xi32, #tpu.memory_space<vmem>>
    %dma_start3A_103 = tpu.memref_squeeze %dma_start3A_102 : memref<1x2xi32, #tpu.memory_space<vmem>> -> memref<2xi32, #tpu.memory_space<vmem>>
    %dma_start3A_104 = arith.constant 0 : i32
    %dma_start3A_105 = tpu.memref_slice %arg2[%mul3A_34, %dma_start3A_104] : memref<2048x8192xf32, #tpu.memory_space<hbm>> -> memref<512x8192xf32, #tpu.memory_space<hbm>>
    %dma_start3A_106 = arith.constant 0 : i32
    %dma_start3A_107 = arith.constant 0 : i32
    %dma_start3A_108 = tpu.memref_slice %dma_start3A_105[%dma_start3A_106, %dma_start3A_107] : memref<512x8192xf32, #tpu.memory_space<hbm>> -> memref<512x8192xf32, #tpu.memory_space<hbm>>
    tpu.enqueue_indirect_dma source(%dma_start3A_108 : memref<512x8192xf32, #tpu.memory_space<hbm>>) target(%arg9 : memref<2x8192xf32, #tpu.memory_space<vmem>>) offsets(%dma_start3A_103 : memref<2xi32, #tpu.memory_space<vmem>>) semaphore(%arg17 : memref<!tpu.dma_semaphore, #tpu.memory_space<semaphore_mem>>)
    %dma_wait3A_109 = arith.constant 0 : i32
    %dma_wait3A_110 = arith.constant 0 : i32
    %dma_wait3A_111 = tpu.memref_slice %arg5[%dma_wait3A_109, %dma_wait3A_110] : memref<24x2xi32, #tpu.memory_space<vmem>> -> memref<1x2xi32, #tpu.memory_space<vmem>>
    %dma_wait3A_112 = tpu.memref_squeeze %dma_wait3A_111 : memref<1x2xi32, #tpu.memory_space<vmem>> -> memref<2xi32, #tpu.memory_space<vmem>>
    %dma_wait3A_113 = arith.constant 0 : i32
    %dma_wait3A_114 = tpu.memref_slice %arg2[%mul3A_34, %dma_wait3A_113] : memref<2048x8192xf32, #tpu.memory_space<hbm>> -> memref<512x8192xf32, #tpu.memory_space<hbm>>
    %dma_wait3A_115 = arith.constant 0 : i32
    %dma_wait3A_116 = arith.constant 0 : i32
    %dma_wait3A_117 = tpu.memref_slice %dma_wait3A_114[%dma_wait3A_115, %dma_wait3A_116] : memref<512x8192xf32, #tpu.memory_space<hbm>> -> memref<512x8192xf32, #tpu.memory_space<hbm>>
    tpu.wait_indirect_dma semaphore(%arg14 : memref<!tpu.dma_semaphore, #tpu.memory_space<semaphore_mem>>) src(%dma_wait3A_117 : memref<512x8192xf32, #tpu.memory_space<hbm>>) dst(%arg6 : memref<2x8192xf32, #tpu.memory_space<vmem>>)
    %add3A_118 = arith.constant 0 : i32
    %add3A_119 = arith.addi %mul3A_2, %add3A_118 : i32
    %dma_start3A_120 = arith.constant 0 : i32
    %dma_start3A_121 = tpu.memref_slice %arg4[%add3A_119, %dma_start3A_120] : memref<1536x8192xf32, #tpu.memory_space<hbm>> -> memref<2x8192xf32, #tpu.memory_space<hbm>>
    %dma_start3A_122 = arith.constant 0 : i32
    %dma_start3A_123 = tpu.memref_slice %arg4[%add3A_119, %dma_start3A_122] : memref<1536x8192xf32, #tpu.memory_space<hbm>> -> memref<2x8192xf32, #tpu.memory_space<hbm>>
    tpu.enqueue_dma source(%arg6 : memref<2x8192xf32, #tpu.memory_space<vmem>>) target(%dma_start3A_123 : memref<2x8192xf32, #tpu.memory_space<hbm>>) target_semaphore(%arg21 : memref<!tpu.dma_semaphore, #tpu.memory_space<semaphore_mem>>)
    %dma_start3A_124 = arith.constant 4 : i32
    %dma_start3A_125 = arith.constant 0 : i32
    %dma_start3A_126 = tpu.memref_slice %arg5[%dma_start3A_124, %dma_start3A_125] : memref<24x2xi32, #tpu.memory_space<vmem>> -> memref<1x2xi32, #tpu.memory_space<vmem>>
    %dma_start3A_127 = tpu.memref_squeeze %dma_start3A_126 : memref<1x2xi32, #tpu.memory_space<vmem>> -> memref<2xi32, #tpu.memory_space<vmem>>
    %dma_start3A_128 = arith.constant 0 : i32
    %dma_start3A_129 = tpu.memref_slice %arg2[%mul3A_34, %dma_start3A_128] : memref<2048x8192xf32, #tpu.memory_space<hbm>> -> memref<512x8192xf32, #tpu.memory_space<hbm>>
    %dma_start3A_130 = arith.constant 0 : i32
    %dma_start3A_131 = arith.constant 0 : i32
    %dma_start3A_132 = tpu.memref_slice %dma_start3A_129[%dma_start3A_130, %dma_start3A_131] : memref<512x8192xf32, #tpu.memory_space<hbm>> -> memref<512x8192xf32, #tpu.memory_space<hbm>>
    tpu.enqueue_indirect_dma source(%dma_start3A_132 : memref<512x8192xf32, #tpu.memory_space<hbm>>) target(%arg10 : memref<2x8192xf32, #tpu.memory_space<vmem>>) offsets(%dma_start3A_127 : memref<2xi32, #tpu.memory_space<vmem>>) semaphore(%arg18 : memref<!tpu.dma_semaphore, #tpu.memory_space<semaphore_mem>>)
    %dma_wait3A_133 = arith.constant 1 : i32
    %dma_wait3A_134 = arith.constant 0 : i32
    %dma_wait3A_135 = tpu.memref_slice %arg5[%dma_wait3A_133, %dma_wait3A_134] : memref<24x2xi32, #tpu.memory_space<vmem>> -> memref<1x2xi32, #tpu.memory_space<vmem>>
    %dma_wait3A_136 = tpu.memref_squeeze %dma_wait3A_135 : memref<1x2xi32, #tpu.memory_space<vmem>> -> memref<2xi32, #tpu.memory_space<vmem>>
    %dma_wait3A_137 = arith.constant 0 : i32
    %dma_wait3A_138 = tpu.memref_slice %arg2[%mul3A_34, %dma_wait3A_137] : memref<2048x8192xf32, #tpu.memory_space<hbm>> -> memref<512x8192xf32, #tpu.memory_space<hbm>>
    %dma_wait3A_139 = arith.constant 0 : i32
    %dma_wait3A_140 = arith.constant 0 : i32
    %dma_wait3A_141 = tpu.memref_slice %dma_wait3A_138[%dma_wait3A_139, %dma_wait3A_140] : memref<512x8192xf32, #tpu.memory_space<hbm>> -> memref<512x8192xf32, #tpu.memory_space<hbm>>
    tpu.wait_indirect_dma semaphore(%arg15 : memref<!tpu.dma_semaphore, #tpu.memory_space<semaphore_mem>>) src(%dma_wait3A_141 : memref<512x8192xf32, #tpu.memory_space<hbm>>) dst(%arg7 : memref<2x8192xf32, #tpu.memory_space<vmem>>)
    %add3A_142 = arith.constant 2 : i32
    %add3A_143 = arith.addi %mul3A_2, %add3A_142 : i32
    %dma_start3A_144 = arith.constant 0 : i32
    %dma_start3A_145 = tpu.memref_slice %arg4[%add3A_143, %dma_start3A_144] : memref<1536x8192xf32, #tpu.memory_space<hbm>> -> memref<2x8192xf32, #tpu.memory_space<hbm>>
    %dma_start3A_146 = arith.constant 0 : i32
    %dma_start3A_147 = tpu.memref_slice %arg4[%add3A_143, %dma_start3A_146] : memref<1536x8192xf32, #tpu.memory_space<hbm>> -> memref<2x8192xf32, #tpu.memory_space<hbm>>
    tpu.enqueue_dma source(%arg7 : memref<2x8192xf32, #tpu.memory_space<vmem>>) target(%dma_start3A_147 : memref<2x8192xf32, #tpu.memory_space<hbm>>) target_semaphore(%arg22 : memref<!tpu.dma_semaphore, #tpu.memory_space<semaphore_mem>>)
    %dma_start3A_148 = arith.constant 5 : i32
    %dma_start3A_149 = arith.constant 0 : i32
    %dma_start3A_150 = tpu.memref_slice %arg5[%dma_start3A_148, %dma_start3A_149] : memref<24x2xi32, #tpu.memory_space<vmem>> -> memref<1x2xi32, #tpu.memory_space<vmem>>
    %dma_start3A_151 = tpu.memref_squeeze %dma_start3A_150 : memref<1x2xi32, #tpu.memory_space<vmem>> -> memref<2xi32, #tpu.memory_space<vmem>>
    %dma_start3A_152 = arith.constant 0 : i32
    %dma_start3A_153 = tpu.memref_slice %arg2[%mul3A_34, %dma_start3A_152] : memref<2048x8192xf32, #tpu.memory_space<hbm>> -> memref<512x8192xf32, #tpu.memory_space<hbm>>
    %dma_start3A_154 = arith.constant 0 : i32
    %dma_start3A_155 = arith.constant 0 : i32
    %dma_start3A_156 = tpu.memref_slice %dma_start3A_153[%dma_start3A_154, %dma_start3A_155] : memref<512x8192xf32, #tpu.memory_space<hbm>> -> memref<512x8192xf32, #tpu.memory_space<hbm>>
    tpu.enqueue_indirect_dma source(%dma_start3A_156 : memref<512x8192xf32, #tpu.memory_space<hbm>>) target(%arg11 : memref<2x8192xf32, #tpu.memory_space<vmem>>) offsets(%dma_start3A_151 : memref<2xi32, #tpu.memory_space<vmem>>) semaphore(%arg19 : memref<!tpu.dma_semaphore, #tpu.memory_space<semaphore_mem>>)
    %dma_wait3A_157 = arith.constant 2 : i32
    %dma_wait3A_158 = arith.constant 0 : i32
    %dma_wait3A_159 = tpu.memref_slice %arg5[%dma_wait3A_157, %dma_wait3A_158] : memref<24x2xi32, #tpu.memory_space<vmem>> -> memref<1x2xi32, #tpu.memory_space<vmem>>
    %dma_wait3A_160 = tpu.memref_squeeze %dma_wait3A_159 : memref<1x2xi32, #tpu.memory_space<vmem>> -> memref<2xi32, #tpu.memory_space<vmem>>
    %dma_wait3A_161 = arith.constant 0 : i32
    %dma_wait3A_162 = tpu.memref_slice %arg2[%mul3A_34, %dma_wait3A_161] : memref<2048x8192xf32, #tpu.memory_space<hbm>> -> memref<512x8192xf32, #tpu.memory_space<hbm>>
    %dma_wait3A_163 = arith.constant 0 : i32
    %dma_wait3A_164 = arith.constant 0 : i32
    %dma_wait3A_165 = tpu.memref_slice %dma_wait3A_162[%dma_wait3A_163, %dma_wait3A_164] : memref<512x8192xf32, #tpu.memory_space<hbm>> -> memref<512x8192xf32, #tpu.memory_space<hbm>>
    tpu.wait_indirect_dma semaphore(%arg16 : memref<!tpu.dma_semaphore, #tpu.memory_space<semaphore_mem>>) src(%dma_wait3A_165 : memref<512x8192xf32, #tpu.memory_space<hbm>>) dst(%arg8 : memref<2x8192xf32, #tpu.memory_space<vmem>>)
    %add3A_166 = arith.constant 4 : i32
    %add3A_167 = arith.addi %mul3A_2, %add3A_166 : i32
    %dma_start3A_168 = arith.constant 0 : i32
    %dma_start3A_169 = tpu.memref_slice %arg4[%add3A_167, %dma_start3A_168] : memref<1536x8192xf32, #tpu.memory_space<hbm>> -> memref<2x8192xf32, #tpu.memory_space<hbm>>
    %dma_start3A_170 = arith.constant 0 : i32
    %dma_start3A_171 = tpu.memref_slice %arg4[%add3A_167, %dma_start3A_170] : memref<1536x8192xf32, #tpu.memory_space<hbm>> -> memref<2x8192xf32, #tpu.memory_space<hbm>>
    tpu.enqueue_dma source(%arg8 : memref<2x8192xf32, #tpu.memory_space<vmem>>) target(%dma_start3A_171 : memref<2x8192xf32, #tpu.memory_space<hbm>>) target_semaphore(%arg23 : memref<!tpu.dma_semaphore, #tpu.memory_space<semaphore_mem>>)
    %dma_start3A_172 = arith.constant 6 : i32
    %dma_start3A_173 = arith.constant 0 : i32
    %dma_start3A_174 = tpu.memref_slice %arg5[%dma_start3A_172, %dma_start3A_173] : memref<24x2xi32, #tpu.memory_space<vmem>> -> memref<1x2xi32, #tpu.memory_space<vmem>>
    %dma_start3A_175 = tpu.memref_squeeze %dma_start3A_174 : memref<1x2xi32, #tpu.memory_space<vmem>> -> memref<2xi32, #tpu.memory_space<vmem>>
    %dma_start3A_176 = arith.constant 0 : i32
    %dma_start3A_177 = tpu.memref_slice %arg2[%mul3A_34, %dma_start3A_176] : memref<2048x8192xf32, #tpu.memory_space<hbm>> -> memref<512x8192xf32, #tpu.memory_space<hbm>>
    %dma_start3A_178 = arith.constant 0 : i32
    %dma_start3A_179 = arith.constant 0 : i32
    %dma_start3A_180 = tpu.memref_slice %dma_start3A_177[%dma_start3A_178, %dma_start3A_179] : memref<512x8192xf32, #tpu.memory_space<hbm>> -> memref<512x8192xf32, #tpu.memory_space<hbm>>
    tpu.enqueue_indirect_dma source(%dma_start3A_180 : memref<512x8192xf32, #tpu.memory_space<hbm>>) target(%arg12 : memref<2x8192xf32, #tpu.memory_space<vmem>>) offsets(%dma_start3A_175 : memref<2xi32, #tpu.memory_space<vmem>>) semaphore(%arg20 : memref<!tpu.dma_semaphore, #tpu.memory_space<semaphore_mem>>)
    %dma_wait3A_181 = arith.constant 3 : i32
    %dma_wait3A_182 = arith.constant 0 : i32
    %dma_wait3A_183 = tpu.memref_slice %arg5[%dma_wait3A_181, %dma_wait3A_182] : memref<24x2xi32, #tpu.memory_space<vmem>> -> memref<1x2xi32, #tpu.memory_space<vmem>>
    %dma_wait3A_184 = tpu.memref_squeeze %dma_wait3A_183 : memref<1x2xi32, #tpu.memory_space<vmem>> -> memref<2xi32, #tpu.memory_space<vmem>>
    %dma_wait3A_185 = arith.constant 0 : i32
    %dma_wait3A_186 = tpu.memref_slice %arg2[%mul3A_34, %dma_wait3A_185] : memref<2048x8192xf32, #tpu.memory_space<hbm>> -> memref<512x8192xf32, #tpu.memory_space<hbm>>
    %dma_wait3A_187 = arith.constant 0 : i32
    %dma_wait3A_188 = arith.constant 0 : i32
    %dma_wait3A_189 = tpu.memref_slice %dma_wait3A_186[%dma_wait3A_187, %dma_wait3A_188] : memref<512x8192xf32, #tpu.memory_space<hbm>> -> memref<512x8192xf32, #tpu.memory_space<hbm>>
    tpu.wait_indirect_dma semaphore(%arg17 : memref<!tpu.dma_semaphore, #tpu.memory_space<semaphore_mem>>) src(%dma_wait3A_189 : memref<512x8192xf32, #tpu.memory_space<hbm>>) dst(%arg9 : memref<2x8192xf32, #tpu.memory_space<vmem>>)
    %add3A_190 = arith.constant 6 : i32
    %add3A_191 = arith.addi %mul3A_2, %add3A_190 : i32
    %dma_start3A_192 = arith.constant 0 : i32
    %dma_start3A_193 = tpu.memref_slice %arg4[%add3A_191, %dma_start3A_192] : memref<1536x8192xf32, #tpu.memory_space<hbm>> -> memref<2x8192xf32, #tpu.memory_space<hbm>>
    %dma_start3A_194 = arith.constant 0 : i32
    %dma_start3A_195 = tpu.memref_slice %arg4[%add3A_191, %dma_start3A_194] : memref<1536x8192xf32, #tpu.memory_space<hbm>> -> memref<2x8192xf32, #tpu.memory_space<hbm>>
    tpu.enqueue_dma source(%arg9 : memref<2x8192xf32, #tpu.memory_space<vmem>>) target(%dma_start3A_195 : memref<2x8192xf32, #tpu.memory_space<hbm>>) target_semaphore(%arg24 : memref<!tpu.dma_semaphore, #tpu.memory_space<semaphore_mem>>)
    %dma_wait3A_196 = arith.constant 0 : i32
    %dma_wait3A_197 = tpu.memref_slice %arg4[%add3A_119, %dma_wait3A_196] : memref<1536x8192xf32, #tpu.memory_space<hbm>> -> memref<2x8192xf32, #tpu.memory_space<hbm>>
    %dma_wait3A_198 = arith.constant 0 : i32
    %dma_wait3A_199 = tpu.memref_slice %arg4[%add3A_119, %dma_wait3A_198] : memref<1536x8192xf32, #tpu.memory_space<hbm>> -> memref<2x8192xf32, #tpu.memory_space<hbm>>
    tpu.wait_dma2 semaphore(%arg21 : memref<!tpu.dma_semaphore, #tpu.memory_space<semaphore_mem>>) src(%arg6 : memref<2x8192xf32, #tpu.memory_space<vmem>>) dst(%dma_wait3A_199 : memref<2x8192xf32, #tpu.memory_space<hbm>>)
    %dma_start3A_200 = arith.constant 7 : i32
    %dma_start3A_201 = arith.constant 0 : i32
    %dma_start3A_202 = tpu.memref_slice %arg5[%dma_start3A_200, %dma_start3A_201] : memref<24x2xi32, #tpu.memory_space<vmem>> -> memref<1x2xi32, #tpu.memory_space<vmem>>
    %dma_start3A_203 = tpu.memref_squeeze %dma_start3A_202 : memref<1x2xi32, #tpu.memory_space<vmem>> -> memref<2xi32, #tpu.memory_space<vmem>>
    %dma_start3A_204 = arith.constant 0 : i32
    %dma_start3A_205 = tpu.memref_slice %arg2[%mul3A_34, %dma_start3A_204] : memref<2048x8192xf32, #tpu.memory_space<hbm>> -> memref<512x8192xf32, #tpu.memory_space<hbm>>
    %dma_start3A_206 = arith.constant 0 : i32
    %dma_start3A_207 = arith.constant 0 : i32
    %dma_start3A_208 = tpu.memref_slice %dma_start3A_205[%dma_start3A_206, %dma_start3A_207] : memref<512x8192xf32, #tpu.memory_space<hbm>> -> memref<512x8192xf32, #tpu.memory_space<hbm>>
    tpu.enqueue_indirect_dma source(%dma_start3A_208 : memref<512x8192xf32, #tpu.memory_space<hbm>>) target(%arg6 : memref<2x8192xf32, #tpu.memory_space<vmem>>) offsets(%dma_start3A_203 : memref<2xi32, #tpu.memory_space<vmem>>) semaphore(%arg14 : memref<!tpu.dma_semaphore, #tpu.memory_space<semaphore_mem>>)
    %dma_wait3A_209 = arith.constant 4 : i32
    %dma_wait3A_210 = arith.constant 0 : i32
    %dma_wait3A_211 = tpu.memref_slice %arg5[%dma_wait3A_209, %dma_wait3A_210] : memref<24x2xi32, #tpu.memory_space<vmem>> -> memref<1x2xi32, #tpu.memory_space<vmem>>
    %dma_wait3A_212 = tpu.memref_squeeze %dma_wait3A_211 : memref<1x2xi32, #tpu.memory_space<vmem>> -> memref<2xi32, #tpu.memory_space<vmem>>
    %dma_wait3A_213 = arith.constant 0 : i32
    %dma_wait3A_214 = tpu.memref_slice %arg2[%mul3A_34, %dma_wait3A_213] : memref<2048x8192xf32, #tpu.memory_space<hbm>> -> memref<512x8192xf32, #tpu.memory_space<hbm>>
    %dma_wait3A_215 = arith.constant 0 : i32
    %dma_wait3A_216 = arith.constant 0 : i32
    %dma_wait3A_217 = tpu.memref_slice %dma_wait3A_214[%dma_wait3A_215, %dma_wait3A_216] : memref<512x8192xf32, #tpu.memory_space<hbm>> -> memref<512x8192xf32, #tpu.memory_space<hbm>>
    tpu.wait_indirect_dma semaphore(%arg18 : memref<!tpu.dma_semaphore, #tpu.memory_space<semaphore_mem>>) src(%dma_wait3A_217 : memref<512x8192xf32, #tpu.memory_space<hbm>>) dst(%arg10 : memref<2x8192xf32, #tpu.memory_space<vmem>>)
    %add3A_218 = arith.constant 8 : i32
    %add3A_219 = arith.addi %mul3A_2, %add3A_218 : i32
    %dma_start3A_220 = arith.constant 0 : i32
    %dma_start3A_221 = tpu.memref_slice %arg4[%add3A_219, %dma_start3A_220] : memref<1536x8192xf32, #tpu.memory_space<hbm>> -> memref<2x8192xf32, #tpu.memory_space<hbm>>
    %dma_start3A_222 = arith.constant 0 : i32
    %dma_start3A_223 = tpu.memref_slice %arg4[%add3A_219, %dma_start3A_222] : memref<1536x8192xf32, #tpu.memory_space<hbm>> -> memref<2x8192xf32, #tpu.memory_space<hbm>>
    tpu.enqueue_dma source(%arg10 : memref<2x8192xf32, #tpu.memory_space<vmem>>) target(%dma_start3A_223 : memref<2x8192xf32, #tpu.memory_space<hbm>>) target_semaphore(%arg25 : memref<!tpu.dma_semaphore, #tpu.memory_space<semaphore_mem>>)
    %dma_wait3A_224 = arith.constant 0 : i32
    %dma_wait3A_225 = tpu.memref_slice %arg4[%add3A_143, %dma_wait3A_224] : memref<1536x8192xf32, #tpu.memory_space<hbm>> -> memref<2x8192xf32, #tpu.memory_space<hbm>>
    %dma_wait3A_226 = arith.constant 0 : i32
    %dma_wait3A_227 = tpu.memref_slice %arg4[%add3A_143, %dma_wait3A_226] : memref<1536x8192xf32, #tpu.memory_space<hbm>> -> memref<2x8192xf32, #tpu.memory_space<hbm>>
    tpu.wait_dma2 semaphore(%arg22 : memref<!tpu.dma_semaphore, #tpu.memory_space<semaphore_mem>>) src(%arg7 : memref<2x8192xf32, #tpu.memory_space<vmem>>) dst(%dma_wait3A_227 : memref<2x8192xf32, #tpu.memory_space<hbm>>)
    %dma_start3A_228 = arith.constant 8 : i32
    %dma_start3A_229 = arith.constant 0 : i32
    %dma_start3A_230 = tpu.memref_slice %arg5[%dma_start3A_228, %dma_start3A_229] : memref<24x2xi32, #tpu.memory_space<vmem>> -> memref<1x2xi32, #tpu.memory_space<vmem>>
    %dma_start3A_231 = tpu.memref_squeeze %dma_start3A_230 : memref<1x2xi32, #tpu.memory_space<vmem>> -> memref<2xi32, #tpu.memory_space<vmem>>
    %dma_start3A_232 = arith.constant 0 : i32
    %dma_start3A_233 = tpu.memref_slice %arg2[%mul3A_34, %dma_start3A_232] : memref<2048x8192xf32, #tpu.memory_space<hbm>> -> memref<512x8192xf32, #tpu.memory_space<hbm>>
    %dma_start3A_234 = arith.constant 0 : i32
    %dma_start3A_235 = arith.constant 0 : i32
    %dma_start3A_236 = tpu.memref_slice %dma_start3A_233[%dma_start3A_234, %dma_start3A_235] : memref<512x8192xf32, #tpu.memory_space<hbm>> -> memref<512x8192xf32, #tpu.memory_space<hbm>>
    tpu.enqueue_indirect_dma source(%dma_start3A_236 : memref<512x8192xf32, #tpu.memory_space<hbm>>) target(%arg7 : memref<2x8192xf32, #tpu.memory_space<vmem>>) offsets(%dma_start3A_231 : memref<2xi32, #tpu.memory_space<vmem>>) semaphore(%arg15 : memref<!tpu.dma_semaphore, #tpu.memory_space<semaphore_mem>>)
    %dma_wait3A_237 = arith.constant 5 : i32
    %dma_wait3A_238 = arith.constant 0 : i32
    %dma_wait3A_239 = tpu.memref_slice %arg5[%dma_wait3A_237, %dma_wait3A_238] : memref<24x2xi32, #tpu.memory_space<vmem>> -> memref<1x2xi32, #tpu.memory_space<vmem>>
    %dma_wait3A_240 = tpu.memref_squeeze %dma_wait3A_239 : memref<1x2xi32, #tpu.memory_space<vmem>> -> memref<2xi32, #tpu.memory_space<vmem>>
    %dma_wait3A_241 = arith.constant 0 : i32
    %dma_wait3A_242 = tpu.memref_slice %arg2[%mul3A_34, %dma_wait3A_241] : memref<2048x8192xf32, #tpu.memory_space<hbm>> -> memref<512x8192xf32, #tpu.memory_space<hbm>>
    %dma_wait3A_243 = arith.constant 0 : i32
    %dma_wait3A_244 = arith.constant 0 : i32
    %dma_wait3A_245 = tpu.memref_slice %dma_wait3A_242[%dma_wait3A_243, %dma_wait3A_244] : memref<512x8192xf32, #tpu.memory_space<hbm>> -> memref<512x8192xf32, #tpu.memory_space<hbm>>
    tpu.wait_indirect_dma semaphore(%arg19 : memref<!tpu.dma_semaphore, #tpu.memory_space<semaphore_mem>>) src(%dma_wait3A_245 : memref<512x8192xf32, #tpu.memory_space<hbm>>) dst(%arg11 : memref<2x8192xf32, #tpu.memory_space<vmem>>)
    %add3A_246 = arith.constant 10 : i32
    %add3A_247 = arith.addi %mul3A_2, %add3A_246 : i32
    %dma_start3A_248 = arith.constant 0 : i32
    %dma_start3A_249 = tpu.memref_slice %arg4[%add3A_247, %dma_start3A_248] : memref<1536x8192xf32, #tpu.memory_space<hbm>> -> memref<2x8192xf32, #tpu.memory_space<hbm>>
    %dma_start3A_250 = arith.constant 0 : i32
    %dma_start3A_251 = tpu.memref_slice %arg4[%add3A_247, %dma_start3A_250] : memref<1536x8192xf32, #tpu.memory_space<hbm>> -> memref<2x8192xf32, #tpu.memory_space<hbm>>
    tpu.enqueue_dma source(%arg11 : memref<2x8192xf32, #tpu.memory_space<vmem>>) target(%dma_start3A_251 : memref<2x8192xf32, #tpu.memory_space<hbm>>) target_semaphore(%arg26 : memref<!tpu.dma_semaphore, #tpu.memory_space<semaphore_mem>>)
    %dma_wait3A_252 = arith.constant 0 : i32
    %dma_wait3A_253 = tpu.memref_slice %arg4[%add3A_167, %dma_wait3A_252] : memref<1536x8192xf32, #tpu.memory_space<hbm>> -> memref<2x8192xf32, #tpu.memory_space<hbm>>
    %dma_wait3A_254 = arith.constant 0 : i32
    %dma_wait3A_255 = tpu.memref_slice %arg4[%add3A_167, %dma_wait3A_254] : memref<1536x8192xf32, #tpu.memory_space<hbm>> -> memref<2x8192xf32, #tpu.memory_space<hbm>>
    tpu.wait_dma2 semaphore(%arg23 : memref<!tpu.dma_semaphore, #tpu.memory_space<semaphore_mem>>) src(%arg8 : memref<2x8192xf32, #tpu.memory_space<vmem>>) dst(%dma_wait3A_255 : memref<2x8192xf32, #tpu.memory_space<hbm>>)
    %dma_start3A_256 = arith.constant 9 : i32
    %dma_start3A_257 = arith.constant 0 : i32
    %dma_start3A_258 = tpu.memref_slice %arg5[%dma_start3A_256, %dma_start3A_257] : memref<24x2xi32, #tpu.memory_space<vmem>> -> memref<1x2xi32, #tpu.memory_space<vmem>>
    %dma_start3A_259 = tpu.memref_squeeze %dma_start3A_258 : memref<1x2xi32, #tpu.memory_space<vmem>> -> memref<2xi32, #tpu.memory_space<vmem>>
    %dma_start3A_260 = arith.constant 0 : i32
    %dma_start3A_261 = tpu.memref_slice %arg2[%mul3A_34, %dma_start3A_260] : memref<2048x8192xf32, #tpu.memory_space<hbm>> -> memref<512x8192xf32, #tpu.memory_space<hbm>>
    %dma_start3A_262 = arith.constant 0 : i32
    %dma_start3A_263 = arith.constant 0 : i32
    %dma_start3A_264 = tpu.memref_slice %dma_start3A_261[%dma_start3A_262, %dma_start3A_263] : memref<512x8192xf32, #tpu.memory_space<hbm>> -> memref<512x8192xf32, #tpu.memory_space<hbm>>
    tpu.enqueue_indirect_dma source(%dma_start3A_264 : memref<512x8192xf32, #tpu.memory_space<hbm>>) target(%arg8 : memref<2x8192xf32, #tpu.memory_space<vmem>>) offsets(%dma_start3A_259 : memref<2xi32, #tpu.memory_space<vmem>>) semaphore(%arg16 : memref<!tpu.dma_semaphore, #tpu.memory_space<semaphore_mem>>)
    %dma_wait3A_265 = arith.constant 6 : i32
    %dma_wait3A_266 = arith.constant 0 : i32
    %dma_wait3A_267 = tpu.memref_slice %arg5[%dma_wait3A_265, %dma_wait3A_266] : memref<24x2xi32, #tpu.memory_space<vmem>> -> memref<1x2xi32, #tpu.memory_space<vmem>>
    %dma_wait3A_268 = tpu.memref_squeeze %dma_wait3A_267 : memref<1x2xi32, #tpu.memory_space<vmem>> -> memref<2xi32, #tpu.memory_space<vmem>>
    %dma_wait3A_269 = arith.constant 0 : i32
    %dma_wait3A_270 = tpu.memref_slice %arg2[%mul3A_34, %dma_wait3A_269] : memref<2048x8192xf32, #tpu.memory_space<hbm>> -> memref<512x8192xf32, #tpu.memory_space<hbm>>
    %dma_wait3A_271 = arith.constant 0 : i32
    %dma_wait3A_272 = arith.constant 0 : i32
    %dma_wait3A_273 = tpu.memref_slice %dma_wait3A_270[%dma_wait3A_271, %dma_wait3A_272] : memref<512x8192xf32, #tpu.memory_space<hbm>> -> memref<512x8192xf32, #tpu.memory_space<hbm>>
    tpu.wait_indirect_dma semaphore(%arg20 : memref<!tpu.dma_semaphore, #tpu.memory_space<semaphore_mem>>) src(%dma_wait3A_273 : memref<512x8192xf32, #tpu.memory_space<hbm>>) dst(%arg12 : memref<2x8192xf32, #tpu.memory_space<vmem>>)
    %add3A_274 = arith.constant 12 : i32
    %add3A_275 = arith.addi %mul3A_2, %add3A_274 : i32
    %dma_start3A_276 = arith.constant 0 : i32
    %dma_start3A_277 = tpu.memref_slice %arg4[%add3A_275, %dma_start3A_276] : memref<1536x8192xf32, #tpu.memory_space<hbm>> -> memref<2x8192xf32, #tpu.memory_space<hbm>>
    %dma_start3A_278 = arith.constant 0 : i32
    %dma_start3A_279 = tpu.memref_slice %arg4[%add3A_275, %dma_start3A_278] : memref<1536x8192xf32, #tpu.memory_space<hbm>> -> memref<2x8192xf32, #tpu.memory_space<hbm>>
    tpu.enqueue_dma source(%arg12 : memref<2x8192xf32, #tpu.memory_space<vmem>>) target(%dma_start3A_279 : memref<2x8192xf32, #tpu.memory_space<hbm>>) target_semaphore(%arg27 : memref<!tpu.dma_semaphore, #tpu.memory_space<semaphore_mem>>)
    %dma_wait3A_280 = arith.constant 0 : i32
    %dma_wait3A_281 = tpu.memref_slice %arg4[%add3A_191, %dma_wait3A_280] : memref<1536x8192xf32, #tpu.memory_space<hbm>> -> memref<2x8192xf32, #tpu.memory_space<hbm>>
    %dma_wait3A_282 = arith.constant 0 : i32
    %dma_wait3A_283 = tpu.memref_slice %arg4[%add3A_191, %dma_wait3A_282] : memref<1536x8192xf32, #tpu.memory_space<hbm>> -> memref<2x8192xf32, #tpu.memory_space<hbm>>
    tpu.wait_dma2 semaphore(%arg24 : memref<!tpu.dma_semaphore, #tpu.memory_space<semaphore_mem>>) src(%arg9 : memref<2x8192xf32, #tpu.memory_space<vmem>>) dst(%dma_wait3A_283 : memref<2x8192xf32, #tpu.memory_space<hbm>>)
    %dma_start3A_284 = arith.constant 10 : i32
    %dma_start3A_285 = arith.constant 0 : i32
    %dma_start3A_286 = tpu.memref_slice %arg5[%dma_start3A_284, %dma_start3A_285] : memref<24x2xi32, #tpu.memory_space<vmem>> -> memref<1x2xi32, #tpu.memory_space<vmem>>
    %dma_start3A_287 = tpu.memref_squeeze %dma_start3A_286 : memref<1x2xi32, #tpu.memory_space<vmem>> -> memref<2xi32, #tpu.memory_space<vmem>>
    %dma_start3A_288 = arith.constant 0 : i32
    %dma_start3A_289 = tpu.memref_slice %arg2[%mul3A_34, %dma_start3A_288] : memref<2048x8192xf32, #tpu.memory_space<hbm>> -> memref<512x8192xf32, #tpu.memory_space<hbm>>
    %dma_start3A_290 = arith.constant 0 : i32
    %dma_start3A_291 = arith.constant 0 : i32
    %dma_start3A_292 = tpu.memref_slice %dma_start3A_289[%dma_start3A_290, %dma_start3A_291] : memref<512x8192xf32, #tpu.memory_space<hbm>> -> memref<512x8192xf32, #tpu.memory_space<hbm>>
    tpu.enqueue_indirect_dma source(%dma_start3A_292 : memref<512x8192xf32, #tpu.memory_space<hbm>>) target(%arg9 : memref<2x8192xf32, #tpu.memory_space<vmem>>) offsets(%dma_start3A_287 : memref<2xi32, #tpu.memory_space<vmem>>) semaphore(%arg17 : memref<!tpu.dma_semaphore, #tpu.memory_space<semaphore_mem>>)
    %dma_wait3A_293 = arith.constant 7 : i32
    %dma_wait3A_294 = arith.constant 0 : i32
    %dma_wait3A_295 = tpu.memref_slice %arg5[%dma_wait3A_293, %dma_wait3A_294] : memref<24x2xi32, #tpu.memory_space<vmem>> -> memref<1x2xi32, #tpu.memory_space<vmem>>
    %dma_wait3A_296 = tpu.memref_squeeze %dma_wait3A_295 : memref<1x2xi32, #tpu.memory_space<vmem>> -> memref<2xi32, #tpu.memory_space<vmem>>
    %dma_wait3A_297 = arith.constant 0 : i32
    %dma_wait3A_298 = tpu.memref_slice %arg2[%mul3A_34, %dma_wait3A_297] : memref<2048x8192xf32, #tpu.memory_space<hbm>> -> memref<512x8192xf32, #tpu.memory_space<hbm>>
    %dma_wait3A_299 = arith.constant 0 : i32
    %dma_wait3A_300 = arith.constant 0 : i32
    %dma_wait3A_301 = tpu.memref_slice %dma_wait3A_298[%dma_wait3A_299, %dma_wait3A_300] : memref<512x8192xf32, #tpu.memory_space<hbm>> -> memref<512x8192xf32, #tpu.memory_space<hbm>>
    tpu.wait_indirect_dma semaphore(%arg14 : memref<!tpu.dma_semaphore, #tpu.memory_space<semaphore_mem>>) src(%dma_wait3A_301 : memref<512x8192xf32, #tpu.memory_space<hbm>>) dst(%arg6 : memref<2x8192xf32, #tpu.memory_space<vmem>>)
    %add3A_302 = arith.constant 14 : i32
    %add3A_303 = arith.addi %mul3A_2, %add3A_302 : i32
    %dma_start3A_304 = arith.constant 0 : i32
    %dma_start3A_305 = tpu.memref_slice %arg4[%add3A_303, %dma_start3A_304] : memref<1536x8192xf32, #tpu.memory_space<hbm>> -> memref<2x8192xf32, #tpu.memory_space<hbm>>
    %dma_start3A_306 = arith.constant 0 : i32
    %dma_start3A_307 = tpu.memref_slice %arg4[%add3A_303, %dma_start3A_306] : memref<1536x8192xf32, #tpu.memory_space<hbm>> -> memref<2x8192xf32, #tpu.memory_space<hbm>>
    tpu.enqueue_dma source(%arg6 : memref<2x8192xf32, #tpu.memory_space<vmem>>) target(%dma_start3A_307 : memref<2x8192xf32, #tpu.memory_space<hbm>>) target_semaphore(%arg21 : memref<!tpu.dma_semaphore, #tpu.memory_space<semaphore_mem>>)
    %dma_wait3A_308 = arith.constant 0 : i32
    %dma_wait3A_309 = tpu.memref_slice %arg4[%add3A_219, %dma_wait3A_308] : memref<1536x8192xf32, #tpu.memory_space<hbm>> -> memref<2x8192xf32, #tpu.memory_space<hbm>>
    %dma_wait3A_310 = arith.constant 0 : i32
    %dma_wait3A_311 = tpu.memref_slice %arg4[%add3A_219, %dma_wait3A_310] : memref<1536x8192xf32, #tpu.memory_space<hbm>> -> memref<2x8192xf32, #tpu.memory_space<hbm>>
    tpu.wait_dma2 semaphore(%arg25 : memref<!tpu.dma_semaphore, #tpu.memory_space<semaphore_mem>>) src(%arg10 : memref<2x8192xf32, #tpu.memory_space<vmem>>) dst(%dma_wait3A_311 : memref<2x8192xf32, #tpu.memory_space<hbm>>)
    %dma_start3A_312 = arith.constant 11 : i32
    %dma_start3A_313 = arith.constant 0 : i32
    %dma_start3A_314 = tpu.memref_slice %arg5[%dma_start3A_312, %dma_start3A_313] : memref<24x2xi32, #tpu.memory_space<vmem>> -> memref<1x2xi32, #tpu.memory_space<vmem>>
    %dma_start3A_315 = tpu.memref_squeeze %dma_start3A_314 : memref<1x2xi32, #tpu.memory_space<vmem>> -> memref<2xi32, #tpu.memory_space<vmem>>
    %dma_start3A_316 = arith.constant 0 : i32
    %dma_start3A_317 = tpu.memref_slice %arg2[%mul3A_34, %dma_start3A_316] : memref<2048x8192xf32, #tpu.memory_space<hbm>> -> memref<512x8192xf32, #tpu.memory_space<hbm>>
    %dma_start3A_318 = arith.constant 0 : i32
    %dma_start3A_319 = arith.constant 0 : i32
    %dma_start3A_320 = tpu.memref_slice %dma_start3A_317[%dma_start3A_318, %dma_start3A_319] : memref<512x8192xf32, #tpu.memory_space<hbm>> -> memref<512x8192xf32, #tpu.memory_space<hbm>>
    tpu.enqueue_indirect_dma source(%dma_start3A_320 : memref<512x8192xf32, #tpu.memory_space<hbm>>) target(%arg10 : memref<2x8192xf32, #tpu.memory_space<vmem>>) offsets(%dma_start3A_315 : memref<2xi32, #tpu.memory_space<vmem>>) semaphore(%arg18 : memref<!tpu.dma_semaphore, #tpu.memory_space<semaphore_mem>>)
    %dma_wait3A_321 = arith.constant 8 : i32
    %dma_wait3A_322 = arith.constant 0 : i32
    %dma_wait3A_323 = tpu.memref_slice %arg5[%dma_wait3A_321, %dma_wait3A_322] : memref<24x2xi32, #tpu.memory_space<vmem>> -> memref<1x2xi32, #tpu.memory_space<vmem>>
    %dma_wait3A_324 = tpu.memref_squeeze %dma_wait3A_323 : memref<1x2xi32, #tpu.memory_space<vmem>> -> memref<2xi32, #tpu.memory_space<vmem>>
    %dma_wait3A_325 = arith.constant 0 : i32
    %dma_wait3A_326 = tpu.memref_slice %arg2[%mul3A_34, %dma_wait3A_325] : memref<2048x8192xf32, #tpu.memory_space<hbm>> -> memref<512x8192xf32, #tpu.memory_space<hbm>>
    %dma_wait3A_327 = arith.constant 0 : i32
    %dma_wait3A_328 = arith.constant 0 : i32
    %dma_wait3A_329 = tpu.memref_slice %dma_wait3A_326[%dma_wait3A_327, %dma_wait3A_328] : memref<512x8192xf32, #tpu.memory_space<hbm>> -> memref<512x8192xf32, #tpu.memory_space<hbm>>
    tpu.wait_indirect_dma semaphore(%arg15 : memref<!tpu.dma_semaphore, #tpu.memory_space<semaphore_mem>>) src(%dma_wait3A_329 : memref<512x8192xf32, #tpu.memory_space<hbm>>) dst(%arg7 : memref<2x8192xf32, #tpu.memory_space<vmem>>)
    %add3A_330 = arith.constant 16 : i32
    %add3A_331 = arith.addi %mul3A_2, %add3A_330 : i32
    %dma_start3A_332 = arith.constant 0 : i32
    %dma_start3A_333 = tpu.memref_slice %arg4[%add3A_331, %dma_start3A_332] : memref<1536x8192xf32, #tpu.memory_space<hbm>> -> memref<2x8192xf32, #tpu.memory_space<hbm>>
    %dma_start3A_334 = arith.constant 0 : i32
    %dma_start3A_335 = tpu.memref_slice %arg4[%add3A_331, %dma_start3A_334] : memref<1536x8192xf32, #tpu.memory_space<hbm>> -> memref<2x8192xf32, #tpu.memory_space<hbm>>
    tpu.enqueue_dma source(%arg7 : memref<2x8192xf32, #tpu.memory_space<vmem>>) target(%dma_start3A_335 : memref<2x8192xf32, #tpu.memory_space<hbm>>) target_semaphore(%arg22 : memref<!tpu.dma_semaphore, #tpu.memory_space<semaphore_mem>>)
    %dma_wait3A_336 = arith.constant 0 : i32
    %dma_wait3A_337 = tpu.memref_slice %arg4[%add3A_247, %dma_wait3A_336] : memref<1536x8192xf32, #tpu.memory_space<hbm>> -> memref<2x8192xf32, #tpu.memory_space<hbm>>
    %dma_wait3A_338 = arith.constant 0 : i32
    %dma_wait3A_339 = tpu.memref_slice %arg4[%add3A_247, %dma_wait3A_338] : memref<1536x8192xf32, #tpu.memory_space<hbm>> -> memref<2x8192xf32, #tpu.memory_space<hbm>>
    tpu.wait_dma2 semaphore(%arg26 : memref<!tpu.dma_semaphore, #tpu.memory_space<semaphore_mem>>) src(%arg11 : memref<2x8192xf32, #tpu.memory_space<vmem>>) dst(%dma_wait3A_339 : memref<2x8192xf32, #tpu.memory_space<hbm>>)
    %dma_start3A_340 = arith.constant 12 : i32
    %dma_start3A_341 = arith.constant 0 : i32
    %dma_start3A_342 = tpu.memref_slice %arg5[%dma_start3A_340, %dma_start3A_341] : memref<24x2xi32, #tpu.memory_space<vmem>> -> memref<1x2xi32, #tpu.memory_space<vmem>>
    %dma_start3A_343 = tpu.memref_squeeze %dma_start3A_342 : memref<1x2xi32, #tpu.memory_space<vmem>> -> memref<2xi32, #tpu.memory_space<vmem>>
    %dma_start3A_344 = arith.constant 0 : i32
    %dma_start3A_345 = tpu.memref_slice %arg2[%mul3A_34, %dma_start3A_344] : memref<2048x8192xf32, #tpu.memory_space<hbm>> -> memref<512x8192xf32, #tpu.memory_space<hbm>>
    %dma_start3A_346 = arith.constant 0 : i32
    %dma_start3A_347 = arith.constant 0 : i32
    %dma_start3A_348 = tpu.memref_slice %dma_start3A_345[%dma_start3A_346, %dma_start3A_347] : memref<512x8192xf32, #tpu.memory_space<hbm>> -> memref<512x8192xf32, #tpu.memory_space<hbm>>
    tpu.enqueue_indirect_dma source(%dma_start3A_348 : memref<512x8192xf32, #tpu.memory_space<hbm>>) target(%arg11 : memref<2x8192xf32, #tpu.memory_space<vmem>>) offsets(%dma_start3A_343 : memref<2xi32, #tpu.memory_space<vmem>>) semaphore(%arg19 : memref<!tpu.dma_semaphore, #tpu.memory_space<semaphore_mem>>)
    %dma_wait3A_349 = arith.constant 9 : i32
    %dma_wait3A_350 = arith.constant 0 : i32
    %dma_wait3A_351 = tpu.memref_slice %arg5[%dma_wait3A_349, %dma_wait3A_350] : memref<24x2xi32, #tpu.memory_space<vmem>> -> memref<1x2xi32, #tpu.memory_space<vmem>>
    %dma_wait3A_352 = tpu.memref_squeeze %dma_wait3A_351 : memref<1x2xi32, #tpu.memory_space<vmem>> -> memref<2xi32, #tpu.memory_space<vmem>>
    %dma_wait3A_353 = arith.constant 0 : i32
    %dma_wait3A_354 = tpu.memref_slice %arg2[%mul3A_34, %dma_wait3A_353] : memref<2048x8192xf32, #tpu.memory_space<hbm>> -> memref<512x8192xf32, #tpu.memory_space<hbm>>
    %dma_wait3A_355 = arith.constant 0 : i32
    %dma_wait3A_356 = arith.constant 0 : i32
    %dma_wait3A_357 = tpu.memref_slice %dma_wait3A_354[%dma_wait3A_355, %dma_wait3A_356] : memref<512x8192xf32, #tpu.memory_space<hbm>> -> memref<512x8192xf32, #tpu.memory_space<hbm>>
    tpu.wait_indirect_dma semaphore(%arg16 : memref<!tpu.dma_semaphore, #tpu.memory_space<semaphore_mem>>) src(%dma_wait3A_357 : memref<512x8192xf32, #tpu.memory_space<hbm>>) dst(%arg8 : memref<2x8192xf32, #tpu.memory_space<vmem>>)
    %add3A_358 = arith.constant 18 : i32
    %add3A_359 = arith.addi %mul3A_2, %add3A_358 : i32
    %dma_start3A_360 = arith.constant 0 : i32
    %dma_start3A_361 = tpu.memref_slice %arg4[%add3A_359, %dma_start3A_360] : memref<1536x8192xf32, #tpu.memory_space<hbm>> -> memref<2x8192xf32, #tpu.memory_space<hbm>>
    %dma_start3A_362 = arith.constant 0 : i32
    %dma_start3A_363 = tpu.memref_slice %arg4[%add3A_359, %dma_start3A_362] : memref<1536x8192xf32, #tpu.memory_space<hbm>> -> memref<2x8192xf32, #tpu.memory_space<hbm>>
    tpu.enqueue_dma source(%arg8 : memref<2x8192xf32, #tpu.memory_space<vmem>>) target(%dma_start3A_363 : memref<2x8192xf32, #tpu.memory_space<hbm>>) target_semaphore(%arg23 : memref<!tpu.dma_semaphore, #tpu.memory_space<semaphore_mem>>)
    %dma_wait3A_364 = arith.constant 0 : i32
    %dma_wait3A_365 = tpu.memref_slice %arg4[%add3A_275, %dma_wait3A_364] : memref<1536x8192xf32, #tpu.memory_space<hbm>> -> memref<2x8192xf32, #tpu.memory_space<hbm>>
    %dma_wait3A_366 = arith.constant 0 : i32
    %dma_wait3A_367 = tpu.memref_slice %arg4[%add3A_275, %dma_wait3A_366] : memref<1536x8192xf32, #tpu.memory_space<hbm>> -> memref<2x8192xf32, #tpu.memory_space<hbm>>
    tpu.wait_dma2 semaphore(%arg27 : memref<!tpu.dma_semaphore, #tpu.memory_space<semaphore_mem>>) src(%arg12 : memref<2x8192xf32, #tpu.memory_space<vmem>>) dst(%dma_wait3A_367 : memref<2x8192xf32, #tpu.memory_space<hbm>>)
    %dma_start3A_368 = arith.constant 13 : i32
    %dma_start3A_369 = arith.constant 0 : i32
    %dma_start3A_370 = tpu.memref_slice %arg5[%dma_start3A_368, %dma_start3A_369] : memref<24x2xi32, #tpu.memory_space<vmem>> -> memref<1x2xi32, #tpu.memory_space<vmem>>
    %dma_start3A_371 = tpu.memref_squeeze %dma_start3A_370 : memref<1x2xi32, #tpu.memory_space<vmem>> -> memref<2xi32, #tpu.memory_space<vmem>>
    %dma_start3A_372 = arith.constant 0 : i32
    %dma_start3A_373 = tpu.memref_slice %arg2[%mul3A_34, %dma_start3A_372] : memref<2048x8192xf32, #tpu.memory_space<hbm>> -> memref<512x8192xf32, #tpu.memory_space<hbm>>
    %dma_start3A_374 = arith.constant 0 : i32
    %dma_start3A_375 = arith.constant 0 : i32
    %dma_start3A_376 = tpu.memref_slice %dma_start3A_373[%dma_start3A_374, %dma_start3A_375] : memref<512x8192xf32, #tpu.memory_space<hbm>> -> memref<512x8192xf32, #tpu.memory_space<hbm>>
    tpu.enqueue_indirect_dma source(%dma_start3A_376 : memref<512x8192xf32, #tpu.memory_space<hbm>>) target(%arg12 : memref<2x8192xf32, #tpu.memory_space<vmem>>) offsets(%dma_start3A_371 : memref<2xi32, #tpu.memory_space<vmem>>) semaphore(%arg20 : memref<!tpu.dma_semaphore, #tpu.memory_space<semaphore_mem>>)
    %dma_wait3A_377 = arith.constant 10 : i32
    %dma_wait3A_378 = arith.constant 0 : i32
    %dma_wait3A_379 = tpu.memref_slice %arg5[%dma_wait3A_377, %dma_wait3A_378] : memref<24x2xi32, #tpu.memory_space<vmem>> -> memref<1x2xi32, #tpu.memory_space<vmem>>
    %dma_wait3A_380 = tpu.memref_squeeze %dma_wait3A_379 : memref<1x2xi32, #tpu.memory_space<vmem>> -> memref<2xi32, #tpu.memory_space<vmem>>
    %dma_wait3A_381 = arith.constant 0 : i32
    %dma_wait3A_382 = tpu.memref_slice %arg2[%mul3A_34, %dma_wait3A_381] : memref<2048x8192xf32, #tpu.memory_space<hbm>> -> memref<512x8192xf32, #tpu.memory_space<hbm>>
    %dma_wait3A_383 = arith.constant 0 : i32
    %dma_wait3A_384 = arith.constant 0 : i32
    %dma_wait3A_385 = tpu.memref_slice %dma_wait3A_382[%dma_wait3A_383, %dma_wait3A_384] : memref<512x8192xf32, #tpu.memory_space<hbm>> -> memref<512x8192xf32, #tpu.memory_space<hbm>>
    tpu.wait_indirect_dma semaphore(%arg17 : memref<!tpu.dma_semaphore, #tpu.memory_space<semaphore_mem>>) src(%dma_wait3A_385 : memref<512x8192xf32, #tpu.memory_space<hbm>>) dst(%arg9 : memref<2x8192xf32, #tpu.memory_space<vmem>>)
    %add3A_386 = arith.constant 20 : i32
    %add3A_387 = arith.addi %mul3A_2, %add3A_386 : i32
    %dma_start3A_388 = arith.constant 0 : i32
    %dma_start3A_389 = tpu.memref_slice %arg4[%add3A_387, %dma_start3A_388] : memref<1536x8192xf32, #tpu.memory_space<hbm>> -> memref<2x8192xf32, #tpu.memory_space<hbm>>
    %dma_start3A_390 = arith.constant 0 : i32
    %dma_start3A_391 = tpu.memref_slice %arg4[%add3A_387, %dma_start3A_390] : memref<1536x8192xf32, #tpu.memory_space<hbm>> -> memref<2x8192xf32, #tpu.memory_space<hbm>>
    tpu.enqueue_dma source(%arg9 : memref<2x8192xf32, #tpu.memory_space<vmem>>) target(%dma_start3A_391 : memref<2x8192xf32, #tpu.memory_space<hbm>>) target_semaphore(%arg24 : memref<!tpu.dma_semaphore, #tpu.memory_space<semaphore_mem>>)
    %dma_wait3A_392 = arith.constant 0 : i32
    %dma_wait3A_393 = tpu.memref_slice %arg4[%add3A_303, %dma_wait3A_392] : memref<1536x8192xf32, #tpu.memory_space<hbm>> -> memref<2x8192xf32, #tpu.memory_space<hbm>>
    %dma_wait3A_394 = arith.constant 0 : i32
    %dma_wait3A_395 = tpu.memref_slice %arg4[%add3A_303, %dma_wait3A_394] : memref<1536x8192xf32, #tpu.memory_space<hbm>> -> memref<2x8192xf32, #tpu.memory_space<hbm>>
    tpu.wait_dma2 semaphore(%arg21 : memref<!tpu.dma_semaphore, #tpu.memory_space<semaphore_mem>>) src(%arg6 : memref<2x8192xf32, #tpu.memory_space<vmem>>) dst(%dma_wait3A_395 : memref<2x8192xf32, #tpu.memory_space<hbm>>)
    %dma_start3A_396 = arith.constant 14 : i32
    %dma_start3A_397 = arith.constant 0 : i32
    %dma_start3A_398 = tpu.memref_slice %arg5[%dma_start3A_396, %dma_start3A_397] : memref<24x2xi32, #tpu.memory_space<vmem>> -> memref<1x2xi32, #tpu.memory_space<vmem>>
    %dma_start3A_399 = tpu.memref_squeeze %dma_start3A_398 : memref<1x2xi32, #tpu.memory_space<vmem>> -> memref<2xi32, #tpu.memory_space<vmem>>
    %dma_start3A_400 = arith.constant 0 : i32
    %dma_start3A_401 = tpu.memref_slice %arg2[%mul3A_34, %dma_start3A_400] : memref<2048x8192xf32, #tpu.memory_space<hbm>> -> memref<512x8192xf32, #tpu.memory_space<hbm>>
    %dma_start3A_402 = arith.constant 0 : i32
    %dma_start3A_403 = arith.constant 0 : i32
    %dma_start3A_404 = tpu.memref_slice %dma_start3A_401[%dma_start3A_402, %dma_start3A_403] : memref<512x8192xf32, #tpu.memory_space<hbm>> -> memref<512x8192xf32, #tpu.memory_space<hbm>>
    tpu.enqueue_indirect_dma source(%dma_start3A_404 : memref<512x8192xf32, #tpu.memory_space<hbm>>) target(%arg6 : memref<2x8192xf32, #tpu.memory_space<vmem>>) offsets(%dma_start3A_399 : memref<2xi32, #tpu.memory_space<vmem>>) semaphore(%arg14 : memref<!tpu.dma_semaphore, #tpu.memory_space<semaphore_mem>>)
    %dma_wait3A_405 = arith.constant 11 : i32
    %dma_wait3A_406 = arith.constant 0 : i32
    %dma_wait3A_407 = tpu.memref_slice %arg5[%dma_wait3A_405, %dma_wait3A_406] : memref<24x2xi32, #tpu.memory_space<vmem>> -> memref<1x2xi32, #tpu.memory_space<vmem>>
    %dma_wait3A_408 = tpu.memref_squeeze %dma_wait3A_407 : memref<1x2xi32, #tpu.memory_space<vmem>> -> memref<2xi32, #tpu.memory_space<vmem>>
    %dma_wait3A_409 = arith.constant 0 : i32
    %dma_wait3A_410 = tpu.memref_slice %arg2[%mul3A_34, %dma_wait3A_409] : memref<2048x8192xf32, #tpu.memory_space<hbm>> -> memref<512x8192xf32, #tpu.memory_space<hbm>>
    %dma_wait3A_411 = arith.constant 0 : i32
    %dma_wait3A_412 = arith.constant 0 : i32
    %dma_wait3A_413 = tpu.memref_slice %dma_wait3A_410[%dma_wait3A_411, %dma_wait3A_412] : memref<512x8192xf32, #tpu.memory_space<hbm>> -> memref<512x8192xf32, #tpu.memory_space<hbm>>
    tpu.wait_indirect_dma semaphore(%arg18 : memref<!tpu.dma_semaphore, #tpu.memory_space<semaphore_mem>>) src(%dma_wait3A_413 : memref<512x8192xf32, #tpu.memory_space<hbm>>) dst(%arg10 : memref<2x8192xf32, #tpu.memory_space<vmem>>)
    %add3A_414 = arith.constant 22 : i32
    %add3A_415 = arith.addi %mul3A_2, %add3A_414 : i32
    %dma_start3A_416 = arith.constant 0 : i32
    %dma_start3A_417 = tpu.memref_slice %arg4[%add3A_415, %dma_start3A_416] : memref<1536x8192xf32, #tpu.memory_space<hbm>> -> memref<2x8192xf32, #tpu.memory_space<hbm>>
    %dma_start3A_418 = arith.constant 0 : i32
    %dma_start3A_419 = tpu.memref_slice %arg4[%add3A_415, %dma_start3A_418] : memref<1536x8192xf32, #tpu.memory_space<hbm>> -> memref<2x8192xf32, #tpu.memory_space<hbm>>
    tpu.enqueue_dma source(%arg10 : memref<2x8192xf32, #tpu.memory_space<vmem>>) target(%dma_start3A_419 : memref<2x8192xf32, #tpu.memory_space<hbm>>) target_semaphore(%arg25 : memref<!tpu.dma_semaphore, #tpu.memory_space<semaphore_mem>>)
    %dma_wait3A_420 = arith.constant 0 : i32
    %dma_wait3A_421 = tpu.memref_slice %arg4[%add3A_331, %dma_wait3A_420] : memref<1536x8192xf32, #tpu.memory_space<hbm>> -> memref<2x8192xf32, #tpu.memory_space<hbm>>
    %dma_wait3A_422 = arith.constant 0 : i32
    %dma_wait3A_423 = tpu.memref_slice %arg4[%add3A_331, %dma_wait3A_422] : memref<1536x8192xf32, #tpu.memory_space<hbm>> -> memref<2x8192xf32, #tpu.memory_space<hbm>>
    tpu.wait_dma2 semaphore(%arg22 : memref<!tpu.dma_semaphore, #tpu.memory_space<semaphore_mem>>) src(%arg7 : memref<2x8192xf32, #tpu.memory_space<vmem>>) dst(%dma_wait3A_423 : memref<2x8192xf32, #tpu.memory_space<hbm>>)
    %dma_start3A_424 = arith.constant 15 : i32
    %dma_start3A_425 = arith.constant 0 : i32
    %dma_start3A_426 = tpu.memref_slice %arg5[%dma_start3A_424, %dma_start3A_425] : memref<24x2xi32, #tpu.memory_space<vmem>> -> memref<1x2xi32, #tpu.memory_space<vmem>>
    %dma_start3A_427 = tpu.memref_squeeze %dma_start3A_426 : memref<1x2xi32, #tpu.memory_space<vmem>> -> memref<2xi32, #tpu.memory_space<vmem>>
    %dma_start3A_428 = arith.constant 0 : i32
    %dma_start3A_429 = tpu.memref_slice %arg2[%mul3A_34, %dma_start3A_428] : memref<2048x8192xf32, #tpu.memory_space<hbm>> -> memref<512x8192xf32, #tpu.memory_space<hbm>>
    %dma_start3A_430 = arith.constant 0 : i32
    %dma_start3A_431 = arith.constant 0 : i32
    %dma_start3A_432 = tpu.memref_slice %dma_start3A_429[%dma_start3A_430, %dma_start3A_431] : memref<512x8192xf32, #tpu.memory_space<hbm>> -> memref<512x8192xf32, #tpu.memory_space<hbm>>
    tpu.enqueue_indirect_dma source(%dma_start3A_432 : memref<512x8192xf32, #tpu.memory_space<hbm>>) target(%arg7 : memref<2x8192xf32, #tpu.memory_space<vmem>>) offsets(%dma_start3A_427 : memref<2xi32, #tpu.memory_space<vmem>>) semaphore(%arg15 : memref<!tpu.dma_semaphore, #tpu.memory_space<semaphore_mem>>)
    %dma_wait3A_433 = arith.constant 12 : i32
    %dma_wait3A_434 = arith.constant 0 : i32
    %dma_wait3A_435 = tpu.memref_slice %arg5[%dma_wait3A_433, %dma_wait3A_434] : memref<24x2xi32, #tpu.memory_space<vmem>> -> memref<1x2xi32, #tpu.memory_space<vmem>>
    %dma_wait3A_436 = tpu.memref_squeeze %dma_wait3A_435 : memref<1x2xi32, #tpu.memory_space<vmem>> -> memref<2xi32, #tpu.memory_space<vmem>>
    %dma_wait3A_437 = arith.constant 0 : i32
    %dma_wait3A_438 = tpu.memref_slice %arg2[%mul3A_34, %dma_wait3A_437] : memref<2048x8192xf32, #tpu.memory_space<hbm>> -> memref<512x8192xf32, #tpu.memory_space<hbm>>
    %dma_wait3A_439 = arith.constant 0 : i32
    %dma_wait3A_440 = arith.constant 0 : i32
    %dma_wait3A_441 = tpu.memref_slice %dma_wait3A_438[%dma_wait3A_439, %dma_wait3A_440] : memref<512x8192xf32, #tpu.memory_space<hbm>> -> memref<512x8192xf32, #tpu.memory_space<hbm>>
    tpu.wait_indirect_dma semaphore(%arg19 : memref<!tpu.dma_semaphore, #tpu.memory_space<semaphore_mem>>) src(%dma_wait3A_441 : memref<512x8192xf32, #tpu.memory_space<hbm>>) dst(%arg11 : memref<2x8192xf32, #tpu.memory_space<vmem>>)
    %add3A_442 = arith.constant 24 : i32
    %add3A_443 = arith.addi %mul3A_2, %add3A_442 : i32
    %dma_start3A_444 = arith.constant 0 : i32
    %dma_start3A_445 = tpu.memref_slice %arg4[%add3A_443, %dma_start3A_444] : memref<1536x8192xf32, #tpu.memory_space<hbm>> -> memref<2x8192xf32, #tpu.memory_space<hbm>>
    %dma_start3A_446 = arith.constant 0 : i32
    %dma_start3A_447 = tpu.memref_slice %arg4[%add3A_443, %dma_start3A_446] : memref<1536x8192xf32, #tpu.memory_space<hbm>> -> memref<2x8192xf32, #tpu.memory_space<hbm>>
    tpu.enqueue_dma source(%arg11 : memref<2x8192xf32, #tpu.memory_space<vmem>>) target(%dma_start3A_447 : memref<2x8192xf32, #tpu.memory_space<hbm>>) target_semaphore(%arg26 : memref<!tpu.dma_semaphore, #tpu.memory_space<semaphore_mem>>)
    %dma_wait3A_448 = arith.constant 0 : i32
    %dma_wait3A_449 = tpu.memref_slice %arg4[%add3A_359, %dma_wait3A_448] : memref<1536x8192xf32, #tpu.memory_space<hbm>> -> memref<2x8192xf32, #tpu.memory_space<hbm>>
    %dma_wait3A_450 = arith.constant 0 : i32
    %dma_wait3A_451 = tpu.memref_slice %arg4[%add3A_359, %dma_wait3A_450] : memref<1536x8192xf32, #tpu.memory_space<hbm>> -> memref<2x8192xf32, #tpu.memory_space<hbm>>
    tpu.wait_dma2 semaphore(%arg23 : memref<!tpu.dma_semaphore, #tpu.memory_space<semaphore_mem>>) src(%arg8 : memref<2x8192xf32, #tpu.memory_space<vmem>>) dst(%dma_wait3A_451 : memref<2x8192xf32, #tpu.memory_space<hbm>>)
    %dma_start3A_452 = arith.constant 16 : i32
    %dma_start3A_453 = arith.constant 0 : i32
    %dma_start3A_454 = tpu.memref_slice %arg5[%dma_start3A_452, %dma_start3A_453] : memref<24x2xi32, #tpu.memory_space<vmem>> -> memref<1x2xi32, #tpu.memory_space<vmem>>
    %dma_start3A_455 = tpu.memref_squeeze %dma_start3A_454 : memref<1x2xi32, #tpu.memory_space<vmem>> -> memref<2xi32, #tpu.memory_space<vmem>>
    %dma_start3A_456 = arith.constant 0 : i32
    %dma_start3A_457 = tpu.memref_slice %arg2[%mul3A_34, %dma_start3A_456] : memref<2048x8192xf32, #tpu.memory_space<hbm>> -> memref<512x8192xf32, #tpu.memory_space<hbm>>
    %dma_start3A_458 = arith.constant 0 : i32
    %dma_start3A_459 = arith.constant 0 : i32
    %dma_start3A_460 = tpu.memref_slice %dma_start3A_457[%dma_start3A_458, %dma_start3A_459] : memref<512x8192xf32, #tpu.memory_space<hbm>> -> memref<512x8192xf32, #tpu.memory_space<hbm>>
    tpu.enqueue_indirect_dma source(%dma_start3A_460 : memref<512x8192xf32, #tpu.memory_space<hbm>>) target(%arg8 : memref<2x8192xf32, #tpu.memory_space<vmem>>) offsets(%dma_start3A_455 : memref<2xi32, #tpu.memory_space<vmem>>) semaphore(%arg16 : memref<!tpu.dma_semaphore, #tpu.memory_space<semaphore_mem>>)
    %dma_wait3A_461 = arith.constant 13 : i32
    %dma_wait3A_462 = arith.constant 0 : i32
    %dma_wait3A_463 = tpu.memref_slice %arg5[%dma_wait3A_461, %dma_wait3A_462] : memref<24x2xi32, #tpu.memory_space<vmem>> -> memref<1x2xi32, #tpu.memory_space<vmem>>
    %dma_wait3A_464 = tpu.memref_squeeze %dma_wait3A_463 : memref<1x2xi32, #tpu.memory_space<vmem>> -> memref<2xi32, #tpu.memory_space<vmem>>
    %dma_wait3A_465 = arith.constant 0 : i32
    %dma_wait3A_466 = tpu.memref_slice %arg2[%mul3A_34, %dma_wait3A_465] : memref<2048x8192xf32, #tpu.memory_space<hbm>> -> memref<512x8192xf32, #tpu.memory_space<hbm>>
    %dma_wait3A_467 = arith.constant 0 : i32
    %dma_wait3A_468 = arith.constant 0 : i32
    %dma_wait3A_469 = tpu.memref_slice %dma_wait3A_466[%dma_wait3A_467, %dma_wait3A_468] : memref<512x8192xf32, #tpu.memory_space<hbm>> -> memref<512x8192xf32, #tpu.memory_space<hbm>>
    tpu.wait_indirect_dma semaphore(%arg20 : memref<!tpu.dma_semaphore, #tpu.memory_space<semaphore_mem>>) src(%dma_wait3A_469 : memref<512x8192xf32, #tpu.memory_space<hbm>>) dst(%arg12 : memref<2x8192xf32, #tpu.memory_space<vmem>>)
    %add3A_470 = arith.constant 26 : i32
    %add3A_471 = arith.addi %mul3A_2, %add3A_470 : i32
    %dma_start3A_472 = arith.constant 0 : i32
    %dma_start3A_473 = tpu.memref_slice %arg4[%add3A_471, %dma_start3A_472] : memref<1536x8192xf32, #tpu.memory_space<hbm>> -> memref<2x8192xf32, #tpu.memory_space<hbm>>
    %dma_start3A_474 = arith.constant 0 : i32
    %dma_start3A_475 = tpu.memref_slice %arg4[%add3A_471, %dma_start3A_474] : memref<1536x8192xf32, #tpu.memory_space<hbm>> -> memref<2x8192xf32, #tpu.memory_space<hbm>>
    tpu.enqueue_dma source(%arg12 : memref<2x8192xf32, #tpu.memory_space<vmem>>) target(%dma_start3A_475 : memref<2x8192xf32, #tpu.memory_space<hbm>>) target_semaphore(%arg27 : memref<!tpu.dma_semaphore, #tpu.memory_space<semaphore_mem>>)
    %dma_wait3A_476 = arith.constant 0 : i32
    %dma_wait3A_477 = tpu.memref_slice %arg4[%add3A_387, %dma_wait3A_476] : memref<1536x8192xf32, #tpu.memory_space<hbm>> -> memref<2x8192xf32, #tpu.memory_space<hbm>>
    %dma_wait3A_478 = arith.constant 0 : i32
    %dma_wait3A_479 = tpu.memref_slice %arg4[%add3A_387, %dma_wait3A_478] : memref<1536x8192xf32, #tpu.memory_space<hbm>> -> memref<2x8192xf32, #tpu.memory_space<hbm>>
    tpu.wait_dma2 semaphore(%arg24 : memref<!tpu.dma_semaphore, #tpu.memory_space<semaphore_mem>>) src(%arg9 : memref<2x8192xf32, #tpu.memory_space<vmem>>) dst(%dma_wait3A_479 : memref<2x8192xf32, #tpu.memory_space<hbm>>)
    %dma_start3A_480 = arith.constant 17 : i32
    %dma_start3A_481 = arith.constant 0 : i32
    %dma_start3A_482 = tpu.memref_slice %arg5[%dma_start3A_480, %dma_start3A_481] : memref<24x2xi32, #tpu.memory_space<vmem>> -> memref<1x2xi32, #tpu.memory_space<vmem>>
    %dma_start3A_483 = tpu.memref_squeeze %dma_start3A_482 : memref<1x2xi32, #tpu.memory_space<vmem>> -> memref<2xi32, #tpu.memory_space<vmem>>
    %dma_start3A_484 = arith.constant 0 : i32
    %dma_start3A_485 = tpu.memref_slice %arg2[%mul3A_34, %dma_start3A_484] : memref<2048x8192xf32, #tpu.memory_space<hbm>> -> memref<512x8192xf32, #tpu.memory_space<hbm>>
    %dma_start3A_486 = arith.constant 0 : i32
    %dma_start3A_487 = arith.constant 0 : i32
    %dma_start3A_488 = tpu.memref_slice %dma_start3A_485[%dma_start3A_486, %dma_start3A_487] : memref<512x8192xf32, #tpu.memory_space<hbm>> -> memref<512x8192xf32, #tpu.memory_space<hbm>>
    tpu.enqueue_indirect_dma source(%dma_start3A_488 : memref<512x8192xf32, #tpu.memory_space<hbm>>) target(%arg9 : memref<2x8192xf32, #tpu.memory_space<vmem>>) offsets(%dma_start3A_483 : memref<2xi32, #tpu.memory_space<vmem>>) semaphore(%arg17 : memref<!tpu.dma_semaphore, #tpu.memory_space<semaphore_mem>>)
    %dma_wait3A_489 = arith.constant 14 : i32
    %dma_wait3A_490 = arith.constant 0 : i32
    %dma_wait3A_491 = tpu.memref_slice %arg5[%dma_wait3A_489, %dma_wait3A_490] : memref<24x2xi32, #tpu.memory_space<vmem>> -> memref<1x2xi32, #tpu.memory_space<vmem>>
    %dma_wait3A_492 = tpu.memref_squeeze %dma_wait3A_491 : memref<1x2xi32, #tpu.memory_space<vmem>> -> memref<2xi32, #tpu.memory_space<vmem>>
    %dma_wait3A_493 = arith.constant 0 : i32
    %dma_wait3A_494 = tpu.memref_slice %arg2[%mul3A_34, %dma_wait3A_493] : memref<2048x8192xf32, #tpu.memory_space<hbm>> -> memref<512x8192xf32, #tpu.memory_space<hbm>>
    %dma_wait3A_495 = arith.constant 0 : i32
    %dma_wait3A_496 = arith.constant 0 : i32
    %dma_wait3A_497 = tpu.memref_slice %dma_wait3A_494[%dma_wait3A_495, %dma_wait3A_496] : memref<512x8192xf32, #tpu.memory_space<hbm>> -> memref<512x8192xf32, #tpu.memory_space<hbm>>
    tpu.wait_indirect_dma semaphore(%arg14 : memref<!tpu.dma_semaphore, #tpu.memory_space<semaphore_mem>>) src(%dma_wait3A_497 : memref<512x8192xf32, #tpu.memory_space<hbm>>) dst(%arg6 : memref<2x8192xf32, #tpu.memory_space<vmem>>)
    %add3A_498 = arith.constant 28 : i32
    %add3A_499 = arith.addi %mul3A_2, %add3A_498 : i32
    %dma_start3A_500 = arith.constant 0 : i32
    %dma_start3A_501 = tpu.memref_slice %arg4[%add3A_499, %dma_start3A_500] : memref<1536x8192xf32, #tpu.memory_space<hbm>> -> memref<2x8192xf32, #tpu.memory_space<hbm>>
    %dma_start3A_502 = arith.constant 0 : i32
    %dma_start3A_503 = tpu.memref_slice %arg4[%add3A_499, %dma_start3A_502] : memref<1536x8192xf32, #tpu.memory_space<hbm>> -> memref<2x8192xf32, #tpu.memory_space<hbm>>
    tpu.enqueue_dma source(%arg6 : memref<2x8192xf32, #tpu.memory_space<vmem>>) target(%dma_start3A_503 : memref<2x8192xf32, #tpu.memory_space<hbm>>) target_semaphore(%arg21 : memref<!tpu.dma_semaphore, #tpu.memory_space<semaphore_mem>>)
    %dma_wait3A_504 = arith.constant 0 : i32
    %dma_wait3A_505 = tpu.memref_slice %arg4[%add3A_415, %dma_wait3A_504] : memref<1536x8192xf32, #tpu.memory_space<hbm>> -> memref<2x8192xf32, #tpu.memory_space<hbm>>
    %dma_wait3A_506 = arith.constant 0 : i32
    %dma_wait3A_507 = tpu.memref_slice %arg4[%add3A_415, %dma_wait3A_506] : memref<1536x8192xf32, #tpu.memory_space<hbm>> -> memref<2x8192xf32, #tpu.memory_space<hbm>>
    tpu.wait_dma2 semaphore(%arg25 : memref<!tpu.dma_semaphore, #tpu.memory_space<semaphore_mem>>) src(%arg10 : memref<2x8192xf32, #tpu.memory_space<vmem>>) dst(%dma_wait3A_507 : memref<2x8192xf32, #tpu.memory_space<hbm>>)
    %dma_start3A_508 = arith.constant 18 : i32
    %dma_start3A_509 = arith.constant 0 : i32
    %dma_start3A_510 = tpu.memref_slice %arg5[%dma_start3A_508, %dma_start3A_509] : memref<24x2xi32, #tpu.memory_space<vmem>> -> memref<1x2xi32, #tpu.memory_space<vmem>>
    %dma_start3A_511 = tpu.memref_squeeze %dma_start3A_510 : memref<1x2xi32, #tpu.memory_space<vmem>> -> memref<2xi32, #tpu.memory_space<vmem>>
    %dma_start3A_512 = arith.constant 0 : i32
    %dma_start3A_513 = tpu.memref_slice %arg2[%mul3A_34, %dma_start3A_512] : memref<2048x8192xf32, #tpu.memory_space<hbm>> -> memref<512x8192xf32, #tpu.memory_space<hbm>>
    %dma_start3A_514 = arith.constant 0 : i32
    %dma_start3A_515 = arith.constant 0 : i32
    %dma_start3A_516 = tpu.memref_slice %dma_start3A_513[%dma_start3A_514, %dma_start3A_515] : memref<512x8192xf32, #tpu.memory_space<hbm>> -> memref<512x8192xf32, #tpu.memory_space<hbm>>
    tpu.enqueue_indirect_dma source(%dma_start3A_516 : memref<512x8192xf32, #tpu.memory_space<hbm>>) target(%arg10 : memref<2x8192xf32, #tpu.memory_space<vmem>>) offsets(%dma_start3A_511 : memref<2xi32, #tpu.memory_space<vmem>>) semaphore(%arg18 : memref<!tpu.dma_semaphore, #tpu.memory_space<semaphore_mem>>)
    %dma_wait3A_517 = arith.constant 15 : i32
    %dma_wait3A_518 = arith.constant 0 : i32
    %dma_wait3A_519 = tpu.memref_slice %arg5[%dma_wait3A_517, %dma_wait3A_518] : memref<24x2xi32, #tpu.memory_space<vmem>> -> memref<1x2xi32, #tpu.memory_space<vmem>>
    %dma_wait3A_520 = tpu.memref_squeeze %dma_wait3A_519 : memref<1x2xi32, #tpu.memory_space<vmem>> -> memref<2xi32, #tpu.memory_space<vmem>>
    %dma_wait3A_521 = arith.constant 0 : i32
    %dma_wait3A_522 = tpu.memref_slice %arg2[%mul3A_34, %dma_wait3A_521] : memref<2048x8192xf32, #tpu.memory_space<hbm>> -> memref<512x8192xf32, #tpu.memory_space<hbm>>
    %dma_wait3A_523 = arith.constant 0 : i32
    %dma_wait3A_524 = arith.constant 0 : i32
    %dma_wait3A_525 = tpu.memref_slice %dma_wait3A_522[%dma_wait3A_523, %dma_wait3A_524] : memref<512x8192xf32, #tpu.memory_space<hbm>> -> memref<512x8192xf32, #tpu.memory_space<hbm>>
    tpu.wait_indirect_dma semaphore(%arg15 : memref<!tpu.dma_semaphore, #tpu.memory_space<semaphore_mem>>) src(%dma_wait3A_525 : memref<512x8192xf32, #tpu.memory_space<hbm>>) dst(%arg7 : memref<2x8192xf32, #tpu.memory_space<vmem>>)
    %add3A_526 = arith.constant 30 : i32
    %add3A_527 = arith.addi %mul3A_2, %add3A_526 : i32
    %dma_start3A_528 = arith.constant 0 : i32
    %dma_start3A_529 = tpu.memref_slice %arg4[%add3A_527, %dma_start3A_528] : memref<1536x8192xf32, #tpu.memory_space<hbm>> -> memref<2x8192xf32, #tpu.memory_space<hbm>>
    %dma_start3A_530 = arith.constant 0 : i32
    %dma_start3A_531 = tpu.memref_slice %arg4[%add3A_527, %dma_start3A_530] : memref<1536x8192xf32, #tpu.memory_space<hbm>> -> memref<2x8192xf32, #tpu.memory_space<hbm>>
    tpu.enqueue_dma source(%arg7 : memref<2x8192xf32, #tpu.memory_space<vmem>>) target(%dma_start3A_531 : memref<2x8192xf32, #tpu.memory_space<hbm>>) target_semaphore(%arg22 : memref<!tpu.dma_semaphore, #tpu.memory_space<semaphore_mem>>)
    %dma_wait3A_532 = arith.constant 0 : i32
    %dma_wait3A_533 = tpu.memref_slice %arg4[%add3A_443, %dma_wait3A_532] : memref<1536x8192xf32, #tpu.memory_space<hbm>> -> memref<2x8192xf32, #tpu.memory_space<hbm>>
    %dma_wait3A_534 = arith.constant 0 : i32
    %dma_wait3A_535 = tpu.memref_slice %arg4[%add3A_443, %dma_wait3A_534] : memref<1536x8192xf32, #tpu.memory_space<hbm>> -> memref<2x8192xf32, #tpu.memory_space<hbm>>
    tpu.wait_dma2 semaphore(%arg26 : memref<!tpu.dma_semaphore, #tpu.memory_space<semaphore_mem>>) src(%arg11 : memref<2x8192xf32, #tpu.memory_space<vmem>>) dst(%dma_wait3A_535 : memref<2x8192xf32, #tpu.memory_space<hbm>>)
    %dma_start3A_536 = arith.constant 19 : i32
    %dma_start3A_537 = arith.constant 0 : i32
    %dma_start3A_538 = tpu.memref_slice %arg5[%dma_start3A_536, %dma_start3A_537] : memref<24x2xi32, #tpu.memory_space<vmem>> -> memref<1x2xi32, #tpu.memory_space<vmem>>
    %dma_start3A_539 = tpu.memref_squeeze %dma_start3A_538 : memref<1x2xi32, #tpu.memory_space<vmem>> -> memref<2xi32, #tpu.memory_space<vmem>>
    %dma_start3A_540 = arith.constant 0 : i32
    %dma_start3A_541 = tpu.memref_slice %arg2[%mul3A_34, %dma_start3A_540] : memref<2048x8192xf32, #tpu.memory_space<hbm>> -> memref<512x8192xf32, #tpu.memory_space<hbm>>
    %dma_start3A_542 = arith.constant 0 : i32
    %dma_start3A_543 = arith.constant 0 : i32
    %dma_start3A_544 = tpu.memref_slice %dma_start3A_541[%dma_start3A_542, %dma_start3A_543] : memref<512x8192xf32, #tpu.memory_space<hbm>> -> memref<512x8192xf32, #tpu.memory_space<hbm>>
    tpu.enqueue_indirect_dma source(%dma_start3A_544 : memref<512x8192xf32, #tpu.memory_space<hbm>>) target(%arg11 : memref<2x8192xf32, #tpu.memory_space<vmem>>) offsets(%dma_start3A_539 : memref<2xi32, #tpu.memory_space<vmem>>) semaphore(%arg19 : memref<!tpu.dma_semaphore, #tpu.memory_space<semaphore_mem>>)
    %dma_wait3A_545 = arith.constant 16 : i32
    %dma_wait3A_546 = arith.constant 0 : i32
    %dma_wait3A_547 = tpu.memref_slice %arg5[%dma_wait3A_545, %dma_wait3A_546] : memref<24x2xi32, #tpu.memory_space<vmem>> -> memref<1x2xi32, #tpu.memory_space<vmem>>
    %dma_wait3A_548 = tpu.memref_squeeze %dma_wait3A_547 : memref<1x2xi32, #tpu.memory_space<vmem>> -> memref<2xi32, #tpu.memory_space<vmem>>
    %dma_wait3A_549 = arith.constant 0 : i32
    %dma_wait3A_550 = tpu.memref_slice %arg2[%mul3A_34, %dma_wait3A_549] : memref<2048x8192xf32, #tpu.memory_space<hbm>> -> memref<512x8192xf32, #tpu.memory_space<hbm>>
    %dma_wait3A_551 = arith.constant 0 : i32
    %dma_wait3A_552 = arith.constant 0 : i32
    %dma_wait3A_553 = tpu.memref_slice %dma_wait3A_550[%dma_wait3A_551, %dma_wait3A_552] : memref<512x8192xf32, #tpu.memory_space<hbm>> -> memref<512x8192xf32, #tpu.memory_space<hbm>>
    tpu.wait_indirect_dma semaphore(%arg16 : memref<!tpu.dma_semaphore, #tpu.memory_space<semaphore_mem>>) src(%dma_wait3A_553 : memref<512x8192xf32, #tpu.memory_space<hbm>>) dst(%arg8 : memref<2x8192xf32, #tpu.memory_space<vmem>>)
    %add3A_554 = arith.constant 32 : i32
    %add3A_555 = arith.addi %mul3A_2, %add3A_554 : i32
    %dma_start3A_556 = arith.constant 0 : i32
    %dma_start3A_557 = tpu.memref_slice %arg4[%add3A_555, %dma_start3A_556] : memref<1536x8192xf32, #tpu.memory_space<hbm>> -> memref<2x8192xf32, #tpu.memory_space<hbm>>
    %dma_start3A_558 = arith.constant 0 : i32
    %dma_start3A_559 = tpu.memref_slice %arg4[%add3A_555, %dma_start3A_558] : memref<1536x8192xf32, #tpu.memory_space<hbm>> -> memref<2x8192xf32, #tpu.memory_space<hbm>>
    tpu.enqueue_dma source(%arg8 : memref<2x8192xf32, #tpu.memory_space<vmem>>) target(%dma_start3A_559 : memref<2x8192xf32, #tpu.memory_space<hbm>>) target_semaphore(%arg23 : memref<!tpu.dma_semaphore, #tpu.memory_space<semaphore_mem>>)
    %dma_wait3A_560 = arith.constant 0 : i32
    %dma_wait3A_561 = tpu.memref_slice %arg4[%add3A_471, %dma_wait3A_560] : memref<1536x8192xf32, #tpu.memory_space<hbm>> -> memref<2x8192xf32, #tpu.memory_space<hbm>>
    %dma_wait3A_562 = arith.constant 0 : i32
    %dma_wait3A_563 = tpu.memref_slice %arg4[%add3A_471, %dma_wait3A_562] : memref<1536x8192xf32, #tpu.memory_space<hbm>> -> memref<2x8192xf32, #tpu.memory_space<hbm>>
    tpu.wait_dma2 semaphore(%arg27 : memref<!tpu.dma_semaphore, #tpu.memory_space<semaphore_mem>>) src(%arg12 : memref<2x8192xf32, #tpu.memory_space<vmem>>) dst(%dma_wait3A_563 : memref<2x8192xf32, #tpu.memory_space<hbm>>)
    %dma_start3A_564 = arith.constant 20 : i32
    %dma_start3A_565 = arith.constant 0 : i32
    %dma_start3A_566 = tpu.memref_slice %arg5[%dma_start3A_564, %dma_start3A_565] : memref<24x2xi32, #tpu.memory_space<vmem>> -> memref<1x2xi32, #tpu.memory_space<vmem>>
    %dma_start3A_567 = tpu.memref_squeeze %dma_start3A_566 : memref<1x2xi32, #tpu.memory_space<vmem>> -> memref<2xi32, #tpu.memory_space<vmem>>
    %dma_start3A_568 = arith.constant 0 : i32
    %dma_start3A_569 = tpu.memref_slice %arg2[%mul3A_34, %dma_start3A_568] : memref<2048x8192xf32, #tpu.memory_space<hbm>> -> memref<512x8192xf32, #tpu.memory_space<hbm>>
    %dma_start3A_570 = arith.constant 0 : i32
    %dma_start3A_571 = arith.constant 0 : i32
    %dma_start3A_572 = tpu.memref_slice %dma_start3A_569[%dma_start3A_570, %dma_start3A_571] : memref<512x8192xf32, #tpu.memory_space<hbm>> -> memref<512x8192xf32, #tpu.memory_space<hbm>>
    tpu.enqueue_indirect_dma source(%dma_start3A_572 : memref<512x8192xf32, #tpu.memory_space<hbm>>) target(%arg12 : memref<2x8192xf32, #tpu.memory_space<vmem>>) offsets(%dma_start3A_567 : memref<2xi32, #tpu.memory_space<vmem>>) semaphore(%arg20 : memref<!tpu.dma_semaphore, #tpu.memory_space<semaphore_mem>>)
    %dma_wait3A_573 = arith.constant 17 : i32
    %dma_wait3A_574 = arith.constant 0 : i32
    %dma_wait3A_575 = tpu.memref_slice %arg5[%dma_wait3A_573, %dma_wait3A_574] : memref<24x2xi32, #tpu.memory_space<vmem>> -> memref<1x2xi32, #tpu.memory_space<vmem>>
    %dma_wait3A_576 = tpu.memref_squeeze %dma_wait3A_575 : memref<1x2xi32, #tpu.memory_space<vmem>> -> memref<2xi32, #tpu.memory_space<vmem>>
    %dma_wait3A_577 = arith.constant 0 : i32
    %dma_wait3A_578 = tpu.memref_slice %arg2[%mul3A_34, %dma_wait3A_577] : memref<2048x8192xf32, #tpu.memory_space<hbm>> -> memref<512x8192xf32, #tpu.memory_space<hbm>>
    %dma_wait3A_579 = arith.constant 0 : i32
    %dma_wait3A_580 = arith.constant 0 : i32
    %dma_wait3A_581 = tpu.memref_slice %dma_wait3A_578[%dma_wait3A_579, %dma_wait3A_580] : memref<512x8192xf32, #tpu.memory_space<hbm>> -> memref<512x8192xf32, #tpu.memory_space<hbm>>
    tpu.wait_indirect_dma semaphore(%arg17 : memref<!tpu.dma_semaphore, #tpu.memory_space<semaphore_mem>>) src(%dma_wait3A_581 : memref<512x8192xf32, #tpu.memory_space<hbm>>) dst(%arg9 : memref<2x8192xf32, #tpu.memory_space<vmem>>)
    %add3A_582 = arith.constant 34 : i32
    %add3A_583 = arith.addi %mul3A_2, %add3A_582 : i32
    %dma_start3A_584 = arith.constant 0 : i32
    %dma_start3A_585 = tpu.memref_slice %arg4[%add3A_583, %dma_start3A_584] : memref<1536x8192xf32, #tpu.memory_space<hbm>> -> memref<2x8192xf32, #tpu.memory_space<hbm>>
    %dma_start3A_586 = arith.constant 0 : i32
    %dma_start3A_587 = tpu.memref_slice %arg4[%add3A_583, %dma_start3A_586] : memref<1536x8192xf32, #tpu.memory_space<hbm>> -> memref<2x8192xf32, #tpu.memory_space<hbm>>
    tpu.enqueue_dma source(%arg9 : memref<2x8192xf32, #tpu.memory_space<vmem>>) target(%dma_start3A_587 : memref<2x8192xf32, #tpu.memory_space<hbm>>) target_semaphore(%arg24 : memref<!tpu.dma_semaphore, #tpu.memory_space<semaphore_mem>>)
    %dma_wait3A_588 = arith.constant 0 : i32
    %dma_wait3A_589 = tpu.memref_slice %arg4[%add3A_499, %dma_wait3A_588] : memref<1536x8192xf32, #tpu.memory_space<hbm>> -> memref<2x8192xf32, #tpu.memory_space<hbm>>
    %dma_wait3A_590 = arith.constant 0 : i32
    %dma_wait3A_591 = tpu.memref_slice %arg4[%add3A_499, %dma_wait3A_590] : memref<1536x8192xf32, #tpu.memory_space<hbm>> -> memref<2x8192xf32, #tpu.memory_space<hbm>>
    tpu.wait_dma2 semaphore(%arg21 : memref<!tpu.dma_semaphore, #tpu.memory_space<semaphore_mem>>) src(%arg6 : memref<2x8192xf32, #tpu.memory_space<vmem>>) dst(%dma_wait3A_591 : memref<2x8192xf32, #tpu.memory_space<hbm>>)
    %dma_start3A_592 = arith.constant 21 : i32
    %dma_start3A_593 = arith.constant 0 : i32
    %dma_start3A_594 = tpu.memref_slice %arg5[%dma_start3A_592, %dma_start3A_593] : memref<24x2xi32, #tpu.memory_space<vmem>> -> memref<1x2xi32, #tpu.memory_space<vmem>>
    %dma_start3A_595 = tpu.memref_squeeze %dma_start3A_594 : memref<1x2xi32, #tpu.memory_space<vmem>> -> memref<2xi32, #tpu.memory_space<vmem>>
    %dma_start3A_596 = arith.constant 0 : i32
    %dma_start3A_597 = tpu.memref_slice %arg2[%mul3A_34, %dma_start3A_596] : memref<2048x8192xf32, #tpu.memory_space<hbm>> -> memref<512x8192xf32, #tpu.memory_space<hbm>>
    %dma_start3A_598 = arith.constant 0 : i32
    %dma_start3A_599 = arith.constant 0 : i32
    %dma_start3A_600 = tpu.memref_slice %dma_start3A_597[%dma_start3A_598, %dma_start3A_599] : memref<512x8192xf32, #tpu.memory_space<hbm>> -> memref<512x8192xf32, #tpu.memory_space<hbm>>
    tpu.enqueue_indirect_dma source(%dma_start3A_600 : memref<512x8192xf32, #tpu.memory_space<hbm>>) target(%arg6 : memref<2x8192xf32, #tpu.memory_space<vmem>>) offsets(%dma_start3A_595 : memref<2xi32, #tpu.memory_space<vmem>>) semaphore(%arg14 : memref<!tpu.dma_semaphore, #tpu.memory_space<semaphore_mem>>)
    %dma_wait3A_601 = arith.constant 18 : i32
    %dma_wait3A_602 = arith.constant 0 : i32
    %dma_wait3A_603 = tpu.memref_slice %arg5[%dma_wait3A_601, %dma_wait3A_602] : memref<24x2xi32, #tpu.memory_space<vmem>> -> memref<1x2xi32, #tpu.memory_space<vmem>>
    %dma_wait3A_604 = tpu.memref_squeeze %dma_wait3A_603 : memref<1x2xi32, #tpu.memory_space<vmem>> -> memref<2xi32, #tpu.memory_space<vmem>>
    %dma_wait3A_605 = arith.constant 0 : i32
    %dma_wait3A_606 = tpu.memref_slice %arg2[%mul3A_34, %dma_wait3A_605] : memref<2048x8192xf32, #tpu.memory_space<hbm>> -> memref<512x8192xf32, #tpu.memory_space<hbm>>
    %dma_wait3A_607 = arith.constant 0 : i32
    %dma_wait3A_608 = arith.constant 0 : i32
    %dma_wait3A_609 = tpu.memref_slice %dma_wait3A_606[%dma_wait3A_607, %dma_wait3A_608] : memref<512x8192xf32, #tpu.memory_space<hbm>> -> memref<512x8192xf32, #tpu.memory_space<hbm>>
    tpu.wait_indirect_dma semaphore(%arg18 : memref<!tpu.dma_semaphore, #tpu.memory_space<semaphore_mem>>) src(%dma_wait3A_609 : memref<512x8192xf32, #tpu.memory_space<hbm>>) dst(%arg10 : memref<2x8192xf32, #tpu.memory_space<vmem>>)
    %add3A_610 = arith.constant 36 : i32
    %add3A_611 = arith.addi %mul3A_2, %add3A_610 : i32
    %dma_start3A_612 = arith.constant 0 : i32
    %dma_start3A_613 = tpu.memref_slice %arg4[%add3A_611, %dma_start3A_612] : memref<1536x8192xf32, #tpu.memory_space<hbm>> -> memref<2x8192xf32, #tpu.memory_space<hbm>>
    %dma_start3A_614 = arith.constant 0 : i32
    %dma_start3A_615 = tpu.memref_slice %arg4[%add3A_611, %dma_start3A_614] : memref<1536x8192xf32, #tpu.memory_space<hbm>> -> memref<2x8192xf32, #tpu.memory_space<hbm>>
    tpu.enqueue_dma source(%arg10 : memref<2x8192xf32, #tpu.memory_space<vmem>>) target(%dma_start3A_615 : memref<2x8192xf32, #tpu.memory_space<hbm>>) target_semaphore(%arg25 : memref<!tpu.dma_semaphore, #tpu.memory_space<semaphore_mem>>)
    %dma_wait3A_616 = arith.constant 0 : i32
    %dma_wait3A_617 = tpu.memref_slice %arg4[%add3A_527, %dma_wait3A_616] : memref<1536x8192xf32, #tpu.memory_space<hbm>> -> memref<2x8192xf32, #tpu.memory_space<hbm>>
    %dma_wait3A_618 = arith.constant 0 : i32
    %dma_wait3A_619 = tpu.memref_slice %arg4[%add3A_527, %dma_wait3A_618] : memref<1536x8192xf32, #tpu.memory_space<hbm>> -> memref<2x8192xf32, #tpu.memory_space<hbm>>
    tpu.wait_dma2 semaphore(%arg22 : memref<!tpu.dma_semaphore, #tpu.memory_space<semaphore_mem>>) src(%arg7 : memref<2x8192xf32, #tpu.memory_space<vmem>>) dst(%dma_wait3A_619 : memref<2x8192xf32, #tpu.memory_space<hbm>>)
    %dma_start3A_620 = arith.constant 22 : i32
    %dma_start3A_621 = arith.constant 0 : i32
    %dma_start3A_622 = tpu.memref_slice %arg5[%dma_start3A_620, %dma_start3A_621] : memref<24x2xi32, #tpu.memory_space<vmem>> -> memref<1x2xi32, #tpu.memory_space<vmem>>
    %dma_start3A_623 = tpu.memref_squeeze %dma_start3A_622 : memref<1x2xi32, #tpu.memory_space<vmem>> -> memref<2xi32, #tpu.memory_space<vmem>>
    %dma_start3A_624 = arith.constant 0 : i32
    %dma_start3A_625 = tpu.memref_slice %arg2[%mul3A_34, %dma_start3A_624] : memref<2048x8192xf32, #tpu.memory_space<hbm>> -> memref<512x8192xf32, #tpu.memory_space<hbm>>
    %dma_start3A_626 = arith.constant 0 : i32
    %dma_start3A_627 = arith.constant 0 : i32
    %dma_start3A_628 = tpu.memref_slice %dma_start3A_625[%dma_start3A_626, %dma_start3A_627] : memref<512x8192xf32, #tpu.memory_space<hbm>> -> memref<512x8192xf32, #tpu.memory_space<hbm>>
    tpu.enqueue_indirect_dma source(%dma_start3A_628 : memref<512x8192xf32, #tpu.memory_space<hbm>>) target(%arg7 : memref<2x8192xf32, #tpu.memory_space<vmem>>) offsets(%dma_start3A_623 : memref<2xi32, #tpu.memory_space<vmem>>) semaphore(%arg15 : memref<!tpu.dma_semaphore, #tpu.memory_space<semaphore_mem>>)
    %dma_wait3A_629 = arith.constant 19 : i32
    %dma_wait3A_630 = arith.constant 0 : i32
    %dma_wait3A_631 = tpu.memref_slice %arg5[%dma_wait3A_629, %dma_wait3A_630] : memref<24x2xi32, #tpu.memory_space<vmem>> -> memref<1x2xi32, #tpu.memory_space<vmem>>
    %dma_wait3A_632 = tpu.memref_squeeze %dma_wait3A_631 : memref<1x2xi32, #tpu.memory_space<vmem>> -> memref<2xi32, #tpu.memory_space<vmem>>
    %dma_wait3A_633 = arith.constant 0 : i32
    %dma_wait3A_634 = tpu.memref_slice %arg2[%mul3A_34, %dma_wait3A_633] : memref<2048x8192xf32, #tpu.memory_space<hbm>> -> memref<512x8192xf32, #tpu.memory_space<hbm>>
    %dma_wait3A_635 = arith.constant 0 : i32
    %dma_wait3A_636 = arith.constant 0 : i32
    %dma_wait3A_637 = tpu.memref_slice %dma_wait3A_634[%dma_wait3A_635, %dma_wait3A_636] : memref<512x8192xf32, #tpu.memory_space<hbm>> -> memref<512x8192xf32, #tpu.memory_space<hbm>>
    tpu.wait_indirect_dma semaphore(%arg19 : memref<!tpu.dma_semaphore, #tpu.memory_space<semaphore_mem>>) src(%dma_wait3A_637 : memref<512x8192xf32, #tpu.memory_space<hbm>>) dst(%arg11 : memref<2x8192xf32, #tpu.memory_space<vmem>>)
    %add3A_638 = arith.constant 38 : i32
    %add3A_639 = arith.addi %mul3A_2, %add3A_638 : i32
    %dma_start3A_640 = arith.constant 0 : i32
    %dma_start3A_641 = tpu.memref_slice %arg4[%add3A_639, %dma_start3A_640] : memref<1536x8192xf32, #tpu.memory_space<hbm>> -> memref<2x8192xf32, #tpu.memory_space<hbm>>
    %dma_start3A_642 = arith.constant 0 : i32
    %dma_start3A_643 = tpu.memref_slice %arg4[%add3A_639, %dma_start3A_642] : memref<1536x8192xf32, #tpu.memory_space<hbm>> -> memref<2x8192xf32, #tpu.memory_space<hbm>>
    tpu.enqueue_dma source(%arg11 : memref<2x8192xf32, #tpu.memory_space<vmem>>) target(%dma_start3A_643 : memref<2x8192xf32, #tpu.memory_space<hbm>>) target_semaphore(%arg26 : memref<!tpu.dma_semaphore, #tpu.memory_space<semaphore_mem>>)
    %dma_wait3A_644 = arith.constant 0 : i32
    %dma_wait3A_645 = tpu.memref_slice %arg4[%add3A_555, %dma_wait3A_644] : memref<1536x8192xf32, #tpu.memory_space<hbm>> -> memref<2x8192xf32, #tpu.memory_space<hbm>>
    %dma_wait3A_646 = arith.constant 0 : i32
    %dma_wait3A_647 = tpu.memref_slice %arg4[%add3A_555, %dma_wait3A_646] : memref<1536x8192xf32, #tpu.memory_space<hbm>> -> memref<2x8192xf32, #tpu.memory_space<hbm>>
    tpu.wait_dma2 semaphore(%arg23 : memref<!tpu.dma_semaphore, #tpu.memory_space<semaphore_mem>>) src(%arg8 : memref<2x8192xf32, #tpu.memory_space<vmem>>) dst(%dma_wait3A_647 : memref<2x8192xf32, #tpu.memory_space<hbm>>)
    %dma_start3A_648 = arith.constant 23 : i32
    %dma_start3A_649 = arith.constant 0 : i32
    %dma_start3A_650 = tpu.memref_slice %arg5[%dma_start3A_648, %dma_start3A_649] : memref<24x2xi32, #tpu.memory_space<vmem>> -> memref<1x2xi32, #tpu.memory_space<vmem>>
    %dma_start3A_651 = tpu.memref_squeeze %dma_start3A_650 : memref<1x2xi32, #tpu.memory_space<vmem>> -> memref<2xi32, #tpu.memory_space<vmem>>
    %dma_start3A_652 = arith.constant 0 : i32
    %dma_start3A_653 = tpu.memref_slice %arg2[%mul3A_34, %dma_start3A_652] : memref<2048x8192xf32, #tpu.memory_space<hbm>> -> memref<512x8192xf32, #tpu.memory_space<hbm>>
    %dma_start3A_654 = arith.constant 0 : i32
    %dma_start3A_655 = arith.constant 0 : i32
    %dma_start3A_656 = tpu.memref_slice %dma_start3A_653[%dma_start3A_654, %dma_start3A_655] : memref<512x8192xf32, #tpu.memory_space<hbm>> -> memref<512x8192xf32, #tpu.memory_space<hbm>>
    tpu.enqueue_indirect_dma source(%dma_start3A_656 : memref<512x8192xf32, #tpu.memory_space<hbm>>) target(%arg8 : memref<2x8192xf32, #tpu.memory_space<vmem>>) offsets(%dma_start3A_651 : memref<2xi32, #tpu.memory_space<vmem>>) semaphore(%arg16 : memref<!tpu.dma_semaphore, #tpu.memory_space<semaphore_mem>>)
    %dma_wait3A_657 = arith.constant 20 : i32
    %dma_wait3A_658 = arith.constant 0 : i32
    %dma_wait3A_659 = tpu.memref_slice %arg5[%dma_wait3A_657, %dma_wait3A_658] : memref<24x2xi32, #tpu.memory_space<vmem>> -> memref<1x2xi32, #tpu.memory_space<vmem>>
    %dma_wait3A_660 = tpu.memref_squeeze %dma_wait3A_659 : memref<1x2xi32, #tpu.memory_space<vmem>> -> memref<2xi32, #tpu.memory_space<vmem>>
    %dma_wait3A_661 = arith.constant 0 : i32
    %dma_wait3A_662 = tpu.memref_slice %arg2[%mul3A_34, %dma_wait3A_661] : memref<2048x8192xf32, #tpu.memory_space<hbm>> -> memref<512x8192xf32, #tpu.memory_space<hbm>>
    %dma_wait3A_663 = arith.constant 0 : i32
    %dma_wait3A_664 = arith.constant 0 : i32
    %dma_wait3A_665 = tpu.memref_slice %dma_wait3A_662[%dma_wait3A_663, %dma_wait3A_664] : memref<512x8192xf32, #tpu.memory_space<hbm>> -> memref<512x8192xf32, #tpu.memory_space<hbm>>
    tpu.wait_indirect_dma semaphore(%arg20 : memref<!tpu.dma_semaphore, #tpu.memory_space<semaphore_mem>>) src(%dma_wait3A_665 : memref<512x8192xf32, #tpu.memory_space<hbm>>) dst(%arg12 : memref<2x8192xf32, #tpu.memory_space<vmem>>)
    %add3A_666 = arith.constant 40 : i32
    %add3A_667 = arith.addi %mul3A_2, %add3A_666 : i32
    %dma_start3A_668 = arith.constant 0 : i32
    %dma_start3A_669 = tpu.memref_slice %arg4[%add3A_667, %dma_start3A_668] : memref<1536x8192xf32, #tpu.memory_space<hbm>> -> memref<2x8192xf32, #tpu.memory_space<hbm>>
    %dma_start3A_670 = arith.constant 0 : i32
    %dma_start3A_671 = tpu.memref_slice %arg4[%add3A_667, %dma_start3A_670] : memref<1536x8192xf32, #tpu.memory_space<hbm>> -> memref<2x8192xf32, #tpu.memory_space<hbm>>
    tpu.enqueue_dma source(%arg12 : memref<2x8192xf32, #tpu.memory_space<vmem>>) target(%dma_start3A_671 : memref<2x8192xf32, #tpu.memory_space<hbm>>) target_semaphore(%arg27 : memref<!tpu.dma_semaphore, #tpu.memory_space<semaphore_mem>>)
    %dma_wait3A_672 = arith.constant 21 : i32
    %dma_wait3A_673 = arith.constant 0 : i32
    %dma_wait3A_674 = tpu.memref_slice %arg5[%dma_wait3A_672, %dma_wait3A_673] : memref<24x2xi32, #tpu.memory_space<vmem>> -> memref<1x2xi32, #tpu.memory_space<vmem>>
    %dma_wait3A_675 = tpu.memref_squeeze %dma_wait3A_674 : memref<1x2xi32, #tpu.memory_space<vmem>> -> memref<2xi32, #tpu.memory_space<vmem>>
    %dma_wait3A_676 = arith.constant 0 : i32
    %dma_wait3A_677 = tpu.memref_slice %arg2[%mul3A_34, %dma_wait3A_676] : memref<2048x8192xf32, #tpu.memory_space<hbm>> -> memref<512x8192xf32, #tpu.memory_space<hbm>>
    %dma_wait3A_678 = arith.constant 0 : i32
    %dma_wait3A_679 = arith.constant 0 : i32
    %dma_wait3A_680 = tpu.memref_slice %dma_wait3A_677[%dma_wait3A_678, %dma_wait3A_679] : memref<512x8192xf32, #tpu.memory_space<hbm>> -> memref<512x8192xf32, #tpu.memory_space<hbm>>
    tpu.wait_indirect_dma semaphore(%arg14 : memref<!tpu.dma_semaphore, #tpu.memory_space<semaphore_mem>>) src(%dma_wait3A_680 : memref<512x8192xf32, #tpu.memory_space<hbm>>) dst(%arg6 : memref<2x8192xf32, #tpu.memory_space<vmem>>)
    %add3A_681 = arith.constant 42 : i32
    %add3A_682 = arith.addi %mul3A_2, %add3A_681 : i32
    %dma_start3A_683 = arith.constant 0 : i32
    %dma_start3A_684 = tpu.memref_slice %arg4[%add3A_682, %dma_start3A_683] : memref<1536x8192xf32, #tpu.memory_space<hbm>> -> memref<2x8192xf32, #tpu.memory_space<hbm>>
    %dma_start3A_685 = arith.constant 0 : i32
    %dma_start3A_686 = tpu.memref_slice %arg4[%add3A_682, %dma_start3A_685] : memref<1536x8192xf32, #tpu.memory_space<hbm>> -> memref<2x8192xf32, #tpu.memory_space<hbm>>
    tpu.enqueue_dma source(%arg6 : memref<2x8192xf32, #tpu.memory_space<vmem>>) target(%dma_start3A_686 : memref<2x8192xf32, #tpu.memory_space<hbm>>) target_semaphore(%arg21 : memref<!tpu.dma_semaphore, #tpu.memory_space<semaphore_mem>>)
    %dma_wait3A_687 = arith.constant 22 : i32
    %dma_wait3A_688 = arith.constant 0 : i32
    %dma_wait3A_689 = tpu.memref_slice %arg5[%dma_wait3A_687, %dma_wait3A_688] : memref<24x2xi32, #tpu.memory_space<vmem>> -> memref<1x2xi32, #tpu.memory_space<vmem>>
    %dma_wait3A_690 = tpu.memref_squeeze %dma_wait3A_689 : memref<1x2xi32, #tpu.memory_space<vmem>> -> memref<2xi32, #tpu.memory_space<vmem>>
    %dma_wait3A_691 = arith.constant 0 : i32
    %dma_wait3A_692 = tpu.memref_slice %arg2[%mul3A_34, %dma_wait3A_691] : memref<2048x8192xf32, #tpu.memory_space<hbm>> -> memref<512x8192xf32, #tpu.memory_space<hbm>>
    %dma_wait3A_693 = arith.constant 0 : i32
    %dma_wait3A_694 = arith.constant 0 : i32
    %dma_wait3A_695 = tpu.memref_slice %dma_wait3A_692[%dma_wait3A_693, %dma_wait3A_694] : memref<512x8192xf32, #tpu.memory_space<hbm>> -> memref<512x8192xf32, #tpu.memory_space<hbm>>
    tpu.wait_indirect_dma semaphore(%arg15 : memref<!tpu.dma_semaphore, #tpu.memory_space<semaphore_mem>>) src(%dma_wait3A_695 : memref<512x8192xf32, #tpu.memory_space<hbm>>) dst(%arg7 : memref<2x8192xf32, #tpu.memory_space<vmem>>)
    %add3A_696 = arith.constant 44 : i32
    %add3A_697 = arith.addi %mul3A_2, %add3A_696 : i32
    %dma_start3A_698 = arith.constant 0 : i32
    %dma_start3A_699 = tpu.memref_slice %arg4[%add3A_697, %dma_start3A_698] : memref<1536x8192xf32, #tpu.memory_space<hbm>> -> memref<2x8192xf32, #tpu.memory_space<hbm>>
    %dma_start3A_700 = arith.constant 0 : i32
    %dma_start3A_701 = tpu.memref_slice %arg4[%add3A_697, %dma_start3A_700] : memref<1536x8192xf32, #tpu.memory_space<hbm>> -> memref<2x8192xf32, #tpu.memory_space<hbm>>
    tpu.enqueue_dma source(%arg7 : memref<2x8192xf32, #tpu.memory_space<vmem>>) target(%dma_start3A_701 : memref<2x8192xf32, #tpu.memory_space<hbm>>) target_semaphore(%arg22 : memref<!tpu.dma_semaphore, #tpu.memory_space<semaphore_mem>>)
    %dma_wait3A_702 = arith.constant 23 : i32
    %dma_wait3A_703 = arith.constant 0 : i32
    %dma_wait3A_704 = tpu.memref_slice %arg5[%dma_wait3A_702, %dma_wait3A_703] : memref<24x2xi32, #tpu.memory_space<vmem>> -> memref<1x2xi32, #tpu.memory_space<vmem>>
    %dma_wait3A_705 = tpu.memref_squeeze %dma_wait3A_704 : memref<1x2xi32, #tpu.memory_space<vmem>> -> memref<2xi32, #tpu.memory_space<vmem>>
    %dma_wait3A_706 = arith.constant 0 : i32
    %dma_wait3A_707 = tpu.memref_slice %arg2[%mul3A_34, %dma_wait3A_706] : memref<2048x8192xf32, #tpu.memory_space<hbm>> -> memref<512x8192xf32, #tpu.memory_space<hbm>>
    %dma_wait3A_708 = arith.constant 0 : i32
    %dma_wait3A_709 = arith.constant 0 : i32
    %dma_wait3A_710 = tpu.memref_slice %dma_wait3A_707[%dma_wait3A_708, %dma_wait3A_709] : memref<512x8192xf32, #tpu.memory_space<hbm>> -> memref<512x8192xf32, #tpu.memory_space<hbm>>
    tpu.wait_indirect_dma semaphore(%arg16 : memref<!tpu.dma_semaphore, #tpu.memory_space<semaphore_mem>>) src(%dma_wait3A_710 : memref<512x8192xf32, #tpu.memory_space<hbm>>) dst(%arg8 : memref<2x8192xf32, #tpu.memory_space<vmem>>)
    %add3A_711 = arith.constant 46 : i32
    %add3A_712 = arith.addi %mul3A_2, %add3A_711 : i32
    %dma_start3A_713 = arith.constant 0 : i32
    %dma_start3A_714 = tpu.memref_slice %arg4[%add3A_712, %dma_start3A_713] : memref<1536x8192xf32, #tpu.memory_space<hbm>> -> memref<2x8192xf32, #tpu.memory_space<hbm>>
    %dma_start3A_715 = arith.constant 0 : i32
    %dma_start3A_716 = tpu.memref_slice %arg4[%add3A_712, %dma_start3A_715] : memref<1536x8192xf32, #tpu.memory_space<hbm>> -> memref<2x8192xf32, #tpu.memory_space<hbm>>
    tpu.enqueue_dma source(%arg8 : memref<2x8192xf32, #tpu.memory_space<vmem>>) target(%dma_start3A_716 : memref<2x8192xf32, #tpu.memory_space<hbm>>) target_semaphore(%arg23 : memref<!tpu.dma_semaphore, #tpu.memory_space<semaphore_mem>>)
    %dma_wait3A_717 = arith.constant 0 : i32
    %dma_wait3A_718 = tpu.memref_slice %arg4[%add3A_682, %dma_wait3A_717] : memref<1536x8192xf32, #tpu.memory_space<hbm>> -> memref<2x8192xf32, #tpu.memory_space<hbm>>
    %dma_wait3A_719 = arith.constant 0 : i32
    %dma_wait3A_720 = tpu.memref_slice %arg4[%add3A_682, %dma_wait3A_719] : memref<1536x8192xf32, #tpu.memory_space<hbm>> -> memref<2x8192xf32, #tpu.memory_space<hbm>>
    tpu.wait_dma2 semaphore(%arg21 : memref<!tpu.dma_semaphore, #tpu.memory_space<semaphore_mem>>) src(%arg6 : memref<2x8192xf32, #tpu.memory_space<vmem>>) dst(%dma_wait3A_720 : memref<2x8192xf32, #tpu.memory_space<hbm>>)
    %dma_wait3A_721 = arith.constant 0 : i32
    %dma_wait3A_722 = tpu.memref_slice %arg4[%add3A_697, %dma_wait3A_721] : memref<1536x8192xf32, #tpu.memory_space<hbm>> -> memref<2x8192xf32, #tpu.memory_space<hbm>>
    %dma_wait3A_723 = arith.constant 0 : i32
    %dma_wait3A_724 = tpu.memref_slice %arg4[%add3A_697, %dma_wait3A_723] : memref<1536x8192xf32, #tpu.memory_space<hbm>> -> memref<2x8192xf32, #tpu.memory_space<hbm>>
    tpu.wait_dma2 semaphore(%arg22 : memref<!tpu.dma_semaphore, #tpu.memory_space<semaphore_mem>>) src(%arg7 : memref<2x8192xf32, #tpu.memory_space<vmem>>) dst(%dma_wait3A_724 : memref<2x8192xf32, #tpu.memory_space<hbm>>)
    %dma_wait3A_725 = arith.constant 0 : i32
    %dma_wait3A_726 = tpu.memref_slice %arg4[%add3A_712, %dma_wait3A_725] : memref<1536x8192xf32, #tpu.memory_space<hbm>> -> memref<2x8192xf32, #tpu.memory_space<hbm>>
    %dma_wait3A_727 = arith.constant 0 : i32
    %dma_wait3A_728 = tpu.memref_slice %arg4[%add3A_712, %dma_wait3A_727] : memref<1536x8192xf32, #tpu.memory_space<hbm>> -> memref<2x8192xf32, #tpu.memory_space<hbm>>
    tpu.wait_dma2 semaphore(%arg23 : memref<!tpu.dma_semaphore, #tpu.memory_space<semaphore_mem>>) src(%arg8 : memref<2x8192xf32, #tpu.memory_space<vmem>>) dst(%dma_wait3A_728 : memref<2x8192xf32, #tpu.memory_space<hbm>>)
    %dma_wait3A_729 = arith.constant 0 : i32
    %dma_wait3A_730 = tpu.memref_slice %arg4[%add3A_583, %dma_wait3A_729] : memref<1536x8192xf32, #tpu.memory_space<hbm>> -> memref<2x8192xf32, #tpu.memory_space<hbm>>
    %dma_wait3A_731 = arith.constant 0 : i32
    %dma_wait3A_732 = tpu.memref_slice %arg4[%add3A_583, %dma_wait3A_731] : memref<1536x8192xf32, #tpu.memory_space<hbm>> -> memref<2x8192xf32, #tpu.memory_space<hbm>>
    tpu.wait_dma2 semaphore(%arg24 : memref<!tpu.dma_semaphore, #tpu.memory_space<semaphore_mem>>) src(%arg9 : memref<2x8192xf32, #tpu.memory_space<vmem>>) dst(%dma_wait3A_732 : memref<2x8192xf32, #tpu.memory_space<hbm>>)
    %dma_wait3A_733 = arith.constant 0 : i32
    %dma_wait3A_734 = tpu.memref_slice %arg4[%add3A_611, %dma_wait3A_733] : memref<1536x8192xf32, #tpu.memory_space<hbm>> -> memref<2x8192xf32, #tpu.memory_space<hbm>>
    %dma_wait3A_735 = arith.constant 0 : i32
    %dma_wait3A_736 = tpu.memref_slice %arg4[%add3A_611, %dma_wait3A_735] : memref<1536x8192xf32, #tpu.memory_space<hbm>> -> memref<2x8192xf32, #tpu.memory_space<hbm>>
    tpu.wait_dma2 semaphore(%arg25 : memref<!tpu.dma_semaphore, #tpu.memory_space<semaphore_mem>>) src(%arg10 : memref<2x8192xf32, #tpu.memory_space<vmem>>) dst(%dma_wait3A_736 : memref<2x8192xf32, #tpu.memory_space<hbm>>)
    %dma_wait3A_737 = arith.constant 0 : i32
    %dma_wait3A_738 = tpu.memref_slice %arg4[%add3A_639, %dma_wait3A_737] : memref<1536x8192xf32, #tpu.memory_space<hbm>> -> memref<2x8192xf32, #tpu.memory_space<hbm>>
    %dma_wait3A_739 = arith.constant 0 : i32
    %dma_wait3A_740 = tpu.memref_slice %arg4[%add3A_639, %dma_wait3A_739] : memref<1536x8192xf32, #tpu.memory_space<hbm>> -> memref<2x8192xf32, #tpu.memory_space<hbm>>
    tpu.wait_dma2 semaphore(%arg26 : memref<!tpu.dma_semaphore, #tpu.memory_space<semaphore_mem>>) src(%arg11 : memref<2x8192xf32, #tpu.memory_space<vmem>>) dst(%dma_wait3A_740 : memref<2x8192xf32, #tpu.memory_space<hbm>>)
    %dma_wait3A_741 = arith.constant 0 : i32
    %dma_wait3A_742 = tpu.memref_slice %arg4[%add3A_667, %dma_wait3A_741] : memref<1536x8192xf32, #tpu.memory_space<hbm>> -> memref<2x8192xf32, #tpu.memory_space<hbm>>
    %dma_wait3A_743 = arith.constant 0 : i32
    %dma_wait3A_744 = tpu.memref_slice %arg4[%add3A_667, %dma_wait3A_743] : memref<1536x8192xf32, #tpu.memory_space<hbm>> -> memref<2x8192xf32, #tpu.memory_space<hbm>>
    tpu.wait_dma2 semaphore(%arg27 : memref<!tpu.dma_semaphore, #tpu.memory_space<semaphore_mem>>) src(%arg12 : memref<2x8192xf32, #tpu.memory_space<vmem>>) dst(%dma_wait3A_744 : memref<2x8192xf32, #tpu.memory_space<hbm>>)
    return
  }
}

</mosaic_0001>

<sc_bundles>
// kernel: kernel.3.cloned.1.call-start
scs
__scs_entry_jumppad:
0x0: {  	(pc) =	sbr.rel $0x88, $3  }
0x1: {  	(tag) =	ssettag $0x0;
	lr =	simm.s32 $0x1  }
0x2: {  	[smem:$0x3F9F] =	sst lr;
	_ =	strace $0xD0000000  }
0x3: {  	_ = 	snop  }
0x4: {  	_ = 	snop  }
0x5: {  	_ = 	snop  }
0x6: {  	_ = 	snop  }
0x7: {  	_ = 	snop  }
__scs_overlays_trampoline_lowered:
0x8: {  	[smem:$0x3FAE] =	sst s0  }
0x9: {  	[smem:$0x3FAF] =	sst s1  }
0xa: {  	[smem:$0x3FB0] =	sst s2  }
0xb: {  	[smem:$0x3FB1] =	sst s3  }
0xc: {  	[smem:$0x3FB2] =	sst s4  }
0xd: {  	[smem:$0x3FB3] =	sst s5  }
0xe: {  	[smem:$0x3FB4] =	sst s6  }
0xf: {  	[smem:$0x3FB5] =	sst s7  }
0x10: {  	[smem:$0x3FB6] =	sst s8  }
0x11: {  	[smem:$0x3FB7] =	sst s9;
	s0 =	simm.s32 @!p0 $0x0  }
0x12: {  	s1 =	sld [smem:$0x3F9D];
	s0 =	simm.s32 @p0 $0x1  }
0x13: {  	[smem:$0x3FB8] =	sst s0;
	s0 =	simm.s32 @!p1 $0x0  }
0x14: {  	s2 =	sld [smem:$0x3F9C];
	s0 =	simm.s32 @p1 $0x1  }
0x15: {  	[smem:$0x3FB9] =	sst s0;
	s0 =	simm.s32 @!p2 $0x0  }
0x16: {  	s3 =	sld [smem:$0x3FDB];
	s0 =	simm.s32 @p2 $0x1  }
0x17: {  	s4 =	simm.s32 $0x1BF5;
	[smem:$0x3FBB] =	sst s0  }
0x18: {  	s0 =	sld [smem:$0x3F9E];
	_ =	swait.ge [sflag:s4], $0x0  }
0x19: {  	s7 =	sld [smem:$0x3F9F]  }
0x1a: {  	s8 =	sadd.s32 $0xFFFFE003, lr  }
0x1b: {  	s9 =	sadd.s32 $0xFFFFFEF7, lr;
	s5 =	simm.s32 $0xFFFFFFFF;
	p2 =	slt.u32 s8, $0xFFFFF086  }
0x1c: {  	p1 =	slt.u32 s9, $0xF7A;
	s5 =	simm.s32 @!p2 $0x0  }
0x1d: {  	s5 =	simm.s32 @p1 $0x1;
	p0 =	seq.s32 s7, s2  }
0x1e: {  	s7 =	smul.u32 @!p0 $0xF7A, s2;
	p2 =	seq.s32 @!p0 s5, $0x0  }
0x1f: {  	s9 =	smul.u32 $0xF7A, s1;
	s8 =	simm.s32 @!p0 $0x1BF5;
	p2 =	por !p2, p0  }
0x20: {  	[sflag:s8] =	ssyncset.s32 @!p0 $0xFFFFF086;
	s6 =	sadd.s32 @!p0 s3, s7;
	s7 =	simm.s32 @!p0 $0x108  }
0x21: {  	s3 =	sadd.s32 s3, s9;
	s6 =	sadd.s32 @!p0 $0x88, s6;
	s7 =	simm.s32 @p2 $0x1082  }
0x22: {  	[simem:s7], [sflag:s8] =	dma.local @!p0 [hbm:s6], $0xF7A  }
0x23: {  	s9 =	sor.u32 $0xD0000000, s2;
	s6 =	simm.s32 $0x108;
	_ =	swait.ge @!p0 [sflag:s8], $0x0  }
0x24: {  	s3 =	sadd.s32 $0x88, s3;
	s6 =	simm.s32 @!p1 $0x1082;
	[sflag:s4] =	ssyncset.s32 $0xFFFFF086  }
0x25: {  	[simem:s6], [sflag:s4] =	dma.local [hbm:s3], $0xF7A  }
0x26: {  	[smem:$0x3F9F] =	sst s1;
	(tag) =	ssettag s2;
	_ =	strace s9  }
0x27: {  	s1 =	sld [smem:$0x3FAF]  }
0x28: {  	s2 =	sld [smem:$0x3FB0]  }
0x29: {  	s4 =	sld [smem:$0x3FB2]  }
0x2a: {  	p0 =	seq.s32 s5, $0x0;
	s5 =	sld [smem:$0x3FB3]  }
0x2b: {  	s6 =	sld [smem:$0x3FB4]  }
0x2c: {  	s7 =	sld [smem:$0x3FB5]  }
0x2d: {  	s3 =	simm.s32 $0x108;
	s8 =	sld [smem:$0x3FB6]  }
0x2e: {  	s3 =	simm.s32 @!p0 $0x1082;
	s9 =	sld [smem:$0x3FB7]  }
0x2f: {  	lr =	sadd.s32 s0, s3;
	s0 =	sld [smem:$0x3FAE]  }
0x30: {  	s3 =	sld [smem:$0x3FB1]  }
0x31: {  	[smem:$0x3FBA] =	sst s10  }
0x32: {  	s10 =	sld [smem:$0x3FB8];
	_ =	sdelay $0x3  }
0x33: {  	p0 =	seq.s32 s10, $0x1;
	s10 =	sld [smem:$0x3FBA];
	_ =	sdelay $0x3  }
0x34: {  	[smem:$0x3FBA] =	sst s10  }
0x35: {  	s10 =	sld [smem:$0x3FB9];
	_ =	sdelay $0x3  }
0x36: {  	p1 =	seq.s32 s10, $0x1;
	s10 =	sld [smem:$0x3FBA];
	_ =	sdelay $0x3  }
0x37: {  	[smem:$0x3FBA] =	sst s10  }
0x38: {  	s10 =	sld [smem:$0x3FBB]  }
0x39: {  	_ = 	snop;
	(pc) =	sbr.ind lr, $3  }
0x3a: {  	_ = 	snop  }
0x3b: {  	_ = 	snop  }
0x3c: {  	p2 =	seq.s32 s10, $0x1;
	s10 =	sld [smem:$0x3FBA]  }
0x3d: {  	_ =	shalt  }
0x3e: {  	_ =	shalt  }
0x3f: {  	_ =	shalt  }
0x40: {  	_ =	shalt  }
0x41: {  	_ =	shalt  }
0x42: {  	_ =	shalt  }
0x43: {  	_ =	shalt  }
0x44: {  	_ =	shalt  }
0x45: {  	_ =	shalt  }
0x46: {  	_ =	shalt  }
0x47: {  	_ =	shalt  }
0x48: {  	_ =	shalt  }
0x49: {  	_ =	shalt  }
0x4a: {  	_ =	shalt  }
0x4b: {  	_ =	shalt  }
0x4c: {  	_ =	shalt  }
0x4d: {  	_ =	shalt  }
0x4e: {  	_ =	shalt  }
0x4f: {  	_ =	shalt  }
0x50: {  	_ =	shalt  }
0x51: {  	_ =	shalt  }
0x52: {  	_ =	shalt  }
0x53: {  	_ =	shalt  }
0x54: {  	_ =	shalt  }
0x55: {  	_ =	shalt  }
0x56: {  	_ =	shalt  }
0x57: {  	_ =	shalt  }
0x58: {  	_ =	shalt  }
0x59: {  	_ =	shalt  }
0x5a: {  	_ =	shalt  }
0x5b: {  	_ =	shalt  }
0x5c: {  	_ =	shalt  }
0x5d: {  	_ =	shalt  }
0x5e: {  	_ =	shalt  }
0x5f: {  	_ =	shalt  }
0x60: {  	_ =	shalt  }
0x61: {  	_ =	shalt  }
0x62: {  	_ =	shalt  }
0x63: {  	_ =	shalt  }
0x64: {  	_ =	shalt  }
0x65: {  	_ =	shalt  }
0x66: {  	_ =	shalt  }
0x67: {  	_ =	shalt  }
0x68: {  	_ =	shalt  }
0x69: {  	_ =	shalt  }
0x6a: {  	_ =	shalt  }
0x6b: {  	_ =	shalt  }
0x6c: {  	_ =	shalt  }
0x6d: {  	_ =	shalt  }
0x6e: {  	_ =	shalt  }
0x6f: {  	_ =	shalt  }
0x70: {  	_ =	shalt  }
0x71: {  	_ =	shalt  }
0x72: {  	_ =	shalt  }
0x73: {  	_ =	shalt  }
0x74: {  	_ =	shalt  }
0x75: {  	_ =	shalt  }
0x76: {  	_ =	shalt  }
0x77: {  	_ =	shalt  }
0x78: {  	_ =	shalt  }
0x79: {  	_ =	shalt  }
0x7a: {  	_ =	shalt  }
0x7b: {  	_ =	shalt  }
0x7c: {  	_ =	shalt  }
0x7d: {  	_ =	shalt  }
0x7e: {  	_ =	shalt  }
0x7f: {  	_ =	shalt  }
0x80: {  	_ =	shalt  }
0x81: {  	_ =	shalt  }
0x82: {  	_ =	shalt  }
0x83: {  	_ =	shalt  }
0x84: {  	_ =	shalt  }
0x85: {  	_ =	shalt  }
0x86: {  	_ =	shalt  }
0x87: {  	_ =	shalt  }
.Lfunc_end0:
.L_simem_size_0:
called_computation_lowered:
.L_overlay_start_0:
0x88: {  	s2 =	sld [smem:$0x3FD9]  }
0x89: {  	s3 =	sld [smem:$0x3FFE];
	_ =	sdelay $0x1  }
0x8a: {  	s1 =	srdreg.scid  }
0x8b: {  	s0 =	sand.u32 $0x1, s1  }
0x8c: {  	s17 =	sshll.u32 s0, $0xA;
	s2 =	sadd.s32 s3, s2  }
0x8d: {  	s2 =	sadd.s32 s2, s17  }
0x8e: {  	[smem:$0x3FC6] =	sst s2  }
0x8f: {  	_ = 	snop  }
0x90: {  	s2 =	sld [smem:$0x3FC9]  }
0x91: {  	s18 =	sld [smem:$0x3FD0];
	(tm) =	ssettm $0x1  }
0x92: {  	s4 =	sld [smem:$0x3FFB];
	_ =	sdelay $0x3  }
0x93: {  	_ =	strace s4  }
0x94: {  	s4 =	sld [smem:$0x3FFC];
	_ =	sdelay $0x3  }
0x95: {  	_ =	strace s4  }
0x96: {  	s4 =	sld [smem:$0x3FFD];
	_ =	sdelay $0x3  }
0x97: {  	_ =	strace s4  }
0x98: {  	_ =	strace $0x8FFFFFFF  }
0x99: {  	s19 =	sld [smem:$0x3FDB];
	_ =	sdelay $0x1  }
0x9a: {  	s5 =	simm.s32 $_scs_section_size  }
0x9b: {  	s6 =	simm.s32 $_size__tile_overlayer_lowered;
	s7 =	simm.s32 $_tile_overlayer_lowered  }
0x9c: {  	s22 =	simm.s32 $0x1BFF;
	s21 =	sshll.u32 s7, $0x1;
	s4 =	sadd.s32 s5, s19  }
0x9d: {  	s8 =	simm.s32 $0x0;
	s20 =	sshll.u32 s6, $0x1;
	s6 =	sadd.s32 s21, s4  }
0x9e: {  	[timem:s8], [sflag:s22] =	dma.local [hbm:s6], s20  }
0x9f: {  	_ =	swait.ge [sflag:s22], s20  }
0xa0: {  	s5 =	ssub.s32 $0x0, s20;
	[sflag:s22] =	ssyncset.done $0x0  }
0xa1: {  	[sflag:s22] =	ssyncadd.s32 s5;
	_ =	sdelay $0x1  }
0xa2: {  	s23 =	simm.s32 $0x1B8B  }
0xa3: {  	_ =	swait.ge [sflag:s23], $0x1  }
0xa4: {  	[sflag:s23] =	ssyncset.done $0x0  }
0xa5: {  	s25 =	simm.s32 $0x1B8E;
	s24 =	sld [smem:$0x3FFE];
	[sflag:s23] =	ssyncadd.s32 $0xFFFFFFFF  }
0xa6: {  	s26 =	simm.s32 $execute0_lowered;
	[smem:$0x3FD2] =	sst s25  }
0xa7: {  	s6 =	sshll.u32 s26, $0x1;
	_ =	strace $0x80000046;
	[dreg:$0x1] =	wrdreg $0xFFFFFFFF  }
0xa8: {  	s28 =	simm.s32 $_size_execute0_lowered;
	s4 =	sadd.s32 s4, s6;
	[dreg:$0x0] =	wrdreg $0x0  }
0xa9: {  	s6 =	sshll.u32 s28, $0x1;
	[dreg:$0x2] =	wrdreg s4  }
0xaa: {  	[dreg:$0x3] =	wrdreg s6  }
0xab: {  	[dreg:$0x4] =	wrdreg $0xC0  }
0xac: {  	_ =	task [dreg:s8], $0x5FFFF  }
0xad: {  	[dreg:$0x1] =	wrdreg $0xFFFFFFFF  }
0xae: {  	[dreg:$0x0] =	wrdreg $0x60  }
0xaf: {  	[dreg:$0x2] =	wrdreg s2  }
0xb0: {  	[dreg:$0x3] =	wrdreg s24  }
0xb1: {  	[dreg:$0x4] =	wrdreg s18  }
0xb2: {  	[dreg:$0x5] =	wrdreg $0x9  }
0xb3: {  	_ =	task.clear_ibuf [dreg:s8], $0x6FFFF;
	_ =	strace $0x90000046  }
0xb4: {  	s29 =	simm.s32 $0x9;
	_ =	strace $0x80000048  }
0xb5: {  	_ =	swait.ge [sflag:s29], $0x1  }
0xb6: {  	[sflag:s29] =	ssyncadd.s32 $0xFFFFFFFF  }
0xb7: {  	_ =	strace $0x90000048  }
0xb8: {  	_ =	sfence  }
0xb9: {  	s30 =	sld [smem:$0x0];
	_ =	sdelay $0x2  }
0xba: {  	s31 =	sshll.u32 s1, $0xD;
	s1 =	sshrl.u32 s1, $0x2  }
0xbb: {  	s3 =	sand.u32 $0x4000, s31;
	s1 =	sadd.s32 s1, s30  }
0xbc: {  	s0 =	sor.u32 s3, s0;
	s1 =	sshll.u32 s1, $0x11  }
0xbd: {  	s0 =	sor.u32 s1, s0  }
0xbe: {  	s0 =	sadd.s32 $0x8F2B, s0  }
0xbf: {  	[sflag:s0] =	ssyncadd.remote.s32 $0x1  }
0xc0: {  	_ =	sfence.sel $0xFFFF  }
0xc1: {  	[dreg:$0x0] =	wrdreg $0xFFFFFFFF;
	(pc) =	sbr.abs _section_cstart, $3  }
0xc2: {  	[dreg:$0x1] =	wrdreg $0xFFFFFFFF  }
0xc3: {  	_ =	task.clear_ibuf [dreg:s8], $0x2FFFF;
	_ =	strace $0x9FFFFFFF  }
0xc4: {  	(tm) =	ssettm $0x7FFFFFFF  }
0xc5: {  	_ =	shalt  }
tec
execute0_lowered:
.L_overlay_start_1:
0x0: {  	(tag) =	ssettag $0x1  }
0x1: {  	s0 =	srdreg.scid;
	s8 =	stileid.u32  }
0x2: {  	s1 =	sand.u32 $0x1, s0;
	s26 =	sshll.u32 s8, $0x1  }
0x3: {  	s3 =	sor.u32 s1, s26  }
0x4: {  	s0 =	smul.u32 $0x8010, s3;
	_ =	sdelay $0x1  }
0x5: {  	s2 =	smul.u32 $0x30, s3;
	s0 =	sshrl.u32 s0, $0x12  }
0x6: {  	s0 =	smul.u32 $0x180, s0;
	_ =	sdelay $0x1  }
0x7: {  	s0 =	ssub.s32 s2, s0  }
0x8: {  	s7 =	smul.u32 $0xC000, s3;
	s0 =	sand.u32 $0xFFF0, s0  }
0x9: {  	s28 =	smul.u32 $0x556, s0  }
0xa: {  	s5 =	rddreg [dreg:$0x2]  }
0xb: {  	s4 =	rddreg [dreg:$0x1];
	s29 =	sadd.s32 s5, s7;
	s2 =	sshrl.u32 s28, $0x10  }
0xc: {  	s0 =	rddreg [dreg:$0x0];
	s6 =	smul.u32 $0x180, s2;
	s2 =	simm.s32 $0x0  }
0xd: {  	s30 =	sadd.s32 $0x20, s29;
	[smem:$0x7FF] =	sst s2  }
0xe: {  	s31 =	sadd.s32 $0x40, s29;
	_ =	strace $0x80000047;
	[dreg:$0x5] =	wrdreg s30  }
0xf: {  	s7 =	sadd.s32 $0x60, s29;
	[dreg:$0x6] =	wrdreg s31  }
0x10: {  	s9 =	sadd.s32 $0x2000, s29;
	[dreg:$0x7] =	wrdreg s7  }
0x11: {  	s3 =	smul.u32 $0x60000, s3;
	s10 =	sadd.s32 $0x2020, s29;
	[dreg:$0x8] =	wrdreg s9  }
0x12: {  	s11 =	sadd.s32 $0x2040, s29;
	[dreg:$0x9] =	wrdreg s10  }
0x13: {  	s3 =	sshrl.u32 s3, $0x3;
	[dreg:$0xa] =	wrdreg s11  }
0x14: {  	s12 =	sadd.s32 $0x2060, s29;
	s3 =	sadd.s32 s5, s3;
	[dreg:$0x1c] =	wrdreg s29  }
0x15: {  	s13 =	sadd.s32 $0x4000, s3;
	[dreg:$0xb] =	wrdreg s12  }
0x16: {  	s14 =	sadd.s32 $0x4020, s3;
	[dreg:$0xc] =	wrdreg s13  }
0x17: {  	s15 =	sadd.s32 $0x4040, s3;
	[dreg:$0xd] =	wrdreg s14  }
0x18: {  	s16 =	sadd.s32 $0x4060, s3;
	[dreg:$0xe] =	wrdreg s15  }
0x19: {  	s17 =	sadd.s32 $0x6000, s3;
	[dreg:$0xf] =	wrdreg s16  }
0x1a: {  	s18 =	sadd.s32 $0x6020, s3;
	[dreg:$0x10] =	wrdreg s17  }
0x1b: {  	s19 =	sadd.s32 $0x6040, s3;
	[dreg:$0x11] =	wrdreg s18  }
0x1c: {  	s20 =	sadd.s32 $0x6060, s3;
	[dreg:$0x12] =	wrdreg s19  }
0x1d: {  	s1 =	ssub.s32 $0x2, s1;
	s21 =	sadd.s32 $0x8000, s3;
	[dreg:$0x13] =	wrdreg s20  }
0x1e: {  	s24 =	sshrl.u32 s1, $0x1;
	s22 =	sadd.s32 $0x8020, s3;
	[dreg:$0x14] =	wrdreg s21  }
0x1f: {  	s1 =	ssub.s32 s1, s24;
	s23 =	sadd.s32 $0x8040, s3;
	[dreg:$0x15] =	wrdreg s22  }
0x20: {  	s25 =	sadd.s32 $0x8060, s3;
	s28 =	sshll.u32 s8, $0x11;
	[dreg:$0x16] =	wrdreg s23  }
0x21: {  	s26 =	sadd.s32 $0xA000, s3;
	s5 =	sand.u32 $0x180000, s28;
	[dreg:$0x17] =	wrdreg s25  }
0x22: {  	s6 =	sand.u32 $0xFF80, s6;
	[dreg:$0x18] =	wrdreg s26;
	s29 =	sadd.s32 $0xA020, s3  }
0x23: {  	s30 =	sadd.s32 $0xA040, s3;
	s31 =	sadd.s32 $0xA060, s3;
	s12 =	smax.u32 s1, $0x1  }
0x24: {  	s9 =	simm.s32 $0x2;
	s11 =	simm.s32 $0x3;
	[dreg:$0x19] =	wrdreg s29  }
0x25: {  	v0 =	vlaneseq.u32;
	s14 =	simm.s32 $0x4;
	s4 =	sadd.s32 s6, s4;
	[dreg:$0x1a] =	wrdreg s30  }
0x26: {  	v1 =	vshrl.u32 v0, $0x1;
	[dreg:$0x1b] =	wrdreg s31;
	s6 =	simm.s32 $0x100;
	s4 =	sadd.s32 $0x400, s4  }
0x27: {  	vm0 =	vmmov $0xffff;
	v0 =	vand.u32 $0x1, v0;
	v1 =	vmul.u32 $0x8, v1;
	[dreg:$0x4] =	wrdreg s4;
	s4 =	sadd.s32 s0, s5;
	s0 =	simm.s32 $0x400  }
.LBB2_1:
0x28: {  	s1 =	rddreg [dreg:$0x4];
	s29 =	simm.s32 $0x1  }
0x29: {  	[tilespmem:s2], [sflag:$0x1] =	stream.linear.gather [hbm4b:s1+s2], $0xC00, $0x38;
	[tilespmem:$0x1CC00] =	vst v63  }
0x2a: {  	_ =	swait.ge [sflag:s29], $0xC00  }
0x2b: {  	[sflag:s29] =	ssyncset.done $0x0  }
0x2c: {  	[sflag:s29] =	ssyncadd.s32 $0xFFFFF400  }
0x2d: {  	v2 =	vld.msk [tilespmem:$0x0], $0x3;
	_ =	sdelay $0x4  }
0x2e: {  	v3 =	vshll.u32 v2, $0x6  }
0x2f: {  	v2 =	vand.u32 $0x7, v2;
	v3 =	vand.u32 $0xFFFFFE00, v3  }
0x30: {  	v2 =	vor.u32 v2, v3  }
0x31: {  	v2 =	vperm.xlane v2, v0;
	_ =	sdelay $0x1  }
0x32: {  	v2 =	vadd.s32 v1, v2;
	_ =	sdelay $0x3  }
0x33: {  	s30 =	simm.s32 $0xC00  }
0x34: {  	[tilespmem:s30], [sflag:$0x2] =	stream.indirect_vreg.gather [hbm4b:s4+s2], $0x80, v2, vm0, $0xb8;
	[tilespmem:$0x1CC00] =	vst v63  }
0x35: {  	s26 =	sadd.s32 $0x400, s4;
	s31 =	simm.s32 $0x1400  }
0x36: {  	[tilespmem:s31], [sflag:$0x2] =	stream.indirect_vreg.gather [hbm4b:s26+s2], $0x80, v2, vm0, $0xb8;
	[tilespmem:$0x1CC00] =	vst v63  }
0x37: {  	s28 =	sadd.s32 $0x800, s4;
	s5 =	simm.s32 $0x1C00  }
0x38: {  	[tilespmem:s5], [sflag:$0x2] =	stream.indirect_vreg.gather [hbm4b:s28+s2], $0x80, v2, vm0, $0xb8;
	[tilespmem:$0x1CC00] =	vst v63  }
0x39: {  	s7 =	simm.s32 $0x2400;
	s29 =	sadd.s32 $0xC00, s4  }
0x3a: {  	[tilespmem:s7], [sflag:$0x2] =	stream.indirect_vreg.gather [hbm4b:s29+s2], $0x80, v2, vm0, $0xb8;
	[tilespmem:$0x1CC00] =	vst v63  }
0x3b: {  	s8 =	simm.s32 $0x2C00;
	s30 =	sadd.s32 $0x1000, s4  }
0x3c: {  	[tilespmem:s8], [sflag:$0x2] =	stream.indirect_vreg.gather [hbm4b:s30+s2], $0x80, v2, vm0, $0xb8;
	[tilespmem:$0x1CC00] =	vst v63  }
0x3d: {  	s10 =	simm.s32 $0x3400;
	s31 =	sadd.s32 $0x1400, s4  }
0x3e: {  	[tilespmem:s10], [sflag:$0x2] =	stream.indirect_vreg.gather [hbm4b:s31+s2], $0x80, v2, vm0, $0xb8;
	[tilespmem:$0x1CC00] =	vst v63  }
0x3f: {  	s1 =	sadd.s32 $0x1800, s4;
	s7 =	simm.s32 $0x3C00  }
0x40: {  	[tilespmem:s7], [sflag:$0x2] =	stream.indirect_vreg.gather [hbm4b:s1+s2], $0x80, v2, vm0, $0xb8;
	[tilespmem:$0x1CC00] =	vst v63  }
0x41: {  	s13 =	simm.s32 $0x4400;
	s8 =	sadd.s32 $0x1C00, s4  }
0x42: {  	[tilespmem:s13], [sflag:$0x2] =	stream.indirect_vreg.gather [hbm4b:s8+s2], $0x80, v2, vm0, $0xb8;
	[tilespmem:$0x1CC00] =	vst v63  }
0x43: {  	v2 =	vld.msk [tilespmem:$0x80], $0x3;
	_ =	sdelay $0x4  }
0x44: {  	v3 =	vshll.u32 v2, $0x6  }
0x45: {  	v2 =	vand.u32 $0x7, v2;
	v3 =	vand.u32 $0xFFFFFE00, v3  }
0x46: {  	v2 =	vor.u32 v2, v3  }
0x47: {  	v2 =	vperm.xlane v2, v0;
	_ =	sdelay $0x1  }
0x48: {  	v2 =	vadd.s32 v1, v2;
	_ =	sdelay $0x3  }
0x49: {  	s15 =	simm.s32 $0x4C00  }
0x4a: {  	[tilespmem:s15], [sflag:$0x3] =	stream.indirect_vreg.gather [hbm4b:s4+s2], $0x80, v2, vm0, $0xb8;
	[tilespmem:$0x1CC00] =	vst v63  }
0x4b: {  	s17 =	simm.s32 $0x5400  }
0x4c: {  	[tilespmem:s17], [sflag:$0x3] =	stream.indirect_vreg.gather [hbm4b:s26+s2], $0x80, v2, vm0, $0xb8;
	[tilespmem:$0x1CC00] =	vst v63  }
0x4d: {  	s20 =	simm.s32 $0x5C00  }
0x4e: {  	[tilespmem:s20], [sflag:$0x3] =	stream.indirect_vreg.gather [hbm4b:s28+s2], $0x80, v2, vm0, $0xb8;
	[tilespmem:$0x1CC00] =	vst v63  }
0x4f: {  	s5 =	simm.s32 $0x6400  }
0x50: {  	[tilespmem:s5], [sflag:$0x3] =	stream.indirect_vreg.gather [hbm4b:s29+s2], $0x80, v2, vm0, $0xb8;
	[tilespmem:$0x1CC00] =	vst v63  }
0x51: {  	s10 =	simm.s32 $0x6C00  }
0x52: {  	[tilespmem:s10], [sflag:$0x3] =	stream.indirect_vreg.gather [hbm4b:s30+s2], $0x80, v2, vm0, $0xb8;
	[tilespmem:$0x1CC00] =	vst v63  }
0x53: {  	s13 =	simm.s32 $0x7400  }
0x54: {  	[tilespmem:s13], [sflag:$0x3] =	stream.indirect_vreg.gather [hbm4b:s31+s2], $0x80, v2, vm0, $0xb8;
	[tilespmem:$0x1CC00] =	vst v63  }
0x55: {  	s17 =	simm.s32 $0x7C00  }
0x56: {  	[tilespmem:s17], [sflag:$0x3] =	stream.indirect_vreg.gather [hbm4b:s1+s2], $0x80, v2, vm0, $0xb8;
	[tilespmem:$0x1CC00] =	vst v63  }
0x57: {  	s20 =	simm.s32 $0x8400  }
0x58: {  	[tilespmem:s20], [sflag:$0x3] =	stream.indirect_vreg.gather [hbm4b:s8+s2], $0x80, v2, vm0, $0xb8;
	[tilespmem:$0x1CC00] =	vst v63  }
0x59: {  	v2 =	vld.msk [tilespmem:$0x100], $0x3;
	_ =	sdelay $0x4  }
0x5a: {  	v3 =	vshll.u32 v2, $0x6  }
0x5b: {  	v2 =	vand.u32 $0x7, v2;
	v3 =	vand.u32 $0xFFFFFE00, v3  }
0x5c: {  	v2 =	vor.u32 v2, v3  }
0x5d: {  	v2 =	vperm.xlane v2, v0;
	_ =	sdelay $0x1  }
0x5e: {  	v2 =	vadd.s32 v1, v2;
	_ =	sdelay $0x3  }
0x5f: {  	s5 =	simm.s32 $0x8C00  }
0x60: {  	[tilespmem:s5], [sflag:$0x4] =	stream.indirect_vreg.gather [hbm4b:s4+s2], $0x80, v2, vm0, $0xb8;
	[tilespmem:$0x1CC00] =	vst v63  }
0x61: {  	s10 =	simm.s32 $0x9400  }
0x62: {  	[tilespmem:s10], [sflag:$0x4] =	stream.indirect_vreg.gather [hbm4b:s26+s2], $0x80, v2, vm0, $0xb8;
	[tilespmem:$0x1CC00] =	vst v63  }
0x63: {  	s13 =	simm.s32 $0x9C00  }
0x64: {  	[tilespmem:s13], [sflag:$0x4] =	stream.indirect_vreg.gather [hbm4b:s28+s2], $0x80, v2, vm0, $0xb8;
	[tilespmem:$0x1CC00] =	vst v63  }
0x65: {  	s17 =	simm.s32 $0xA400  }
0x66: {  	[tilespmem:s17], [sflag:$0x4] =	stream.indirect_vreg.gather [hbm4b:s29+s2], $0x80, v2, vm0, $0xb8;
	[tilespmem:$0x1CC00] =	vst v63  }
0x67: {  	s5 =	simm.s32 $0xAC00  }
0x68: {  	[tilespmem:s5], [sflag:$0x4] =	stream.indirect_vreg.gather [hbm4b:s30+s2], $0x80, v2, vm0, $0xb8;
	[tilespmem:$0x1CC00] =	vst v63  }
0x69: {  	s10 =	simm.s32 $0xB400  }
0x6a: {  	[tilespmem:s10], [sflag:$0x4] =	stream.indirect_vreg.gather [hbm4b:s31+s2], $0x80, v2, vm0, $0xb8;
	[tilespmem:$0x1CC00] =	vst v63  }
0x6b: {  	s13 =	simm.s32 $0xBC00  }
0x6c: {  	[tilespmem:s13], [sflag:$0x4] =	stream.indirect_vreg.gather [hbm4b:s1+s2], $0x80, v2, vm0, $0xb8;
	[tilespmem:$0x1CC00] =	vst v63  }
0x6d: {  	s17 =	simm.s32 $0xC400  }
0x6e: {  	[tilespmem:s17], [sflag:$0x4] =	stream.indirect_vreg.gather [hbm4b:s8+s2], $0x80, v2, vm0, $0xb8;
	[tilespmem:$0x1CC00] =	vst v63  }
0x6f: {  	v2 =	vld.msk [tilespmem:$0x180], $0x3;
	_ =	sdelay $0x4  }
0x70: {  	v3 =	vshll.u32 v2, $0x6  }
0x71: {  	v2 =	vand.u32 $0x7, v2;
	v3 =	vand.u32 $0xFFFFFE00, v3  }
0x72: {  	v2 =	vor.u32 v2, v3  }
0x73: {  	v2 =	vperm.xlane v2, v0;
	_ =	sdelay $0x1  }
0x74: {  	v2 =	vadd.s32 v1, v2;
	_ =	sdelay $0x3  }
0x75: {  	s5 =	simm.s32 $0xCC00  }
0x76: {  	[tilespmem:s5], [sflag:$0x5] =	stream.indirect_vreg.gather [hbm4b:s4+s2], $0x80, v2, vm0, $0xb8;
	[tilespmem:$0x1CC00] =	vst v63  }
0x77: {  	s5 =	simm.s32 $0xD400  }
0x78: {  	[tilespmem:s5], [sflag:$0x5] =	stream.indirect_vreg.gather [hbm4b:s26+s2], $0x80, v2, vm0, $0xb8;
	[tilespmem:$0x1CC00] =	vst v63  }
0x79: {  	s7 =	simm.s32 $0xDC00  }
0x7a: {  	[tilespmem:s7], [sflag:$0x5] =	stream.indirect_vreg.gather [hbm4b:s28+s2], $0x80, v2, vm0, $0xb8;
	[tilespmem:$0x1CC00] =	vst v63  }
0x7b: {  	s10 =	simm.s32 $0xE400  }
0x7c: {  	[tilespmem:s10], [sflag:$0x5] =	stream.indirect_vreg.gather [hbm4b:s29+s2], $0x80, v2, vm0, $0xb8;
	[tilespmem:$0x1CC00] =	vst v63  }
0x7d: {  	s13 =	simm.s32 $0xEC00  }
0x7e: {  	[tilespmem:s13], [sflag:$0x5] =	stream.indirect_vreg.gather [hbm4b:s30+s2], $0x80, v2, vm0, $0xb8;
	[tilespmem:$0x1CC00] =	vst v63  }
0x7f: {  	s7 =	simm.s32 $0xF400  }
0x80: {  	[tilespmem:s7], [sflag:$0x5] =	stream.indirect_vreg.gather [hbm4b:s31+s2], $0x80, v2, vm0, $0xb8;
	[tilespmem:$0x1CC00] =	vst v63  }
0x81: {  	s10 =	simm.s32 $0xFC00  }
0x82: {  	[tilespmem:s10], [sflag:$0x5] =	stream.indirect_vreg.gather [hbm4b:s1+s2], $0x80, v2, vm0, $0xb8;
	[tilespmem:$0x1CC00] =	vst v63  }
0x83: {  	s13 =	simm.s32 $0x10400  }
0x84: {  	[tilespmem:s13], [sflag:$0x5] =	stream.indirect_vreg.gather [hbm4b:s8+s2], $0x80, v2, vm0, $0xb8;
	[tilespmem:$0x1CC00] =	vst v63  }
0x85: {  	_ =	swait.ge [sflag:s9], $0x4000  }
0x86: {  	[sflag:s9] =	ssyncset.done $0x0  }
0x87: {  	s3 =	simm.s32 $0xC00;
	s10 =	rddreg [dreg:$0x1c];
	[sflag:s9] =	ssyncadd.s32 $0xFFFFC000  }
0x88: {  	[hbm4b:s10+s6] =	stream.strided.scatter [tilespmem:s3], [sflag:$0x9], $0x4000, s0, s6, $0x38;
	[tilespmem:$0x1CC00] =	vst v63  }
0x89: {  	v2 =	vld.msk [tilespmem:$0x200], $0x3;
	_ =	sdelay $0x4  }
0x8a: {  	v3 =	vshll.u32 v2, $0x6  }
0x8b: {  	v2 =	vand.u32 $0x7, v2;
	v3 =	vand.u32 $0xFFFFFE00, v3  }
0x8c: {  	v2 =	vor.u32 v2, v3  }
0x8d: {  	v2 =	vperm.xlane v2, v0;
	_ =	sdelay $0x1  }
0x8e: {  	v2 =	vadd.s32 v1, v2;
	_ =	sdelay $0x3  }
0x8f: {  	s7 =	simm.s32 $0x10C00  }
0x90: {  	[tilespmem:s7], [sflag:$0x6] =	stream.indirect_vreg.gather [hbm4b:s4+s2], $0x80, v2, vm0, $0xb8;
	[tilespmem:$0x1CC00] =	vst v63  }
0x91: {  	s10 =	simm.s32 $0x11400  }
0x92: {  	[tilespmem:s10], [sflag:$0x6] =	stream.indirect_vreg.gather [hbm4b:s26+s2], $0x80, v2, vm0, $0xb8;
	[tilespmem:$0x1CC00] =	vst v63  }
0x93: {  	s13 =	simm.s32 $0x11C00  }
0x94: {  	[tilespmem:s13], [sflag:$0x6] =	stream.indirect_vreg.gather [hbm4b:s28+s2], $0x80, v2, vm0, $0xb8;
	[tilespmem:$0x1CC00] =	vst v63  }
0x95: {  	s10 =	simm.s32 $0x12400  }
0x96: {  	[tilespmem:s10], [sflag:$0x6] =	stream.indirect_vreg.gather [hbm4b:s29+s2], $0x80, v2, vm0, $0xb8;
	[tilespmem:$0x1CC00] =	vst v63  }
0x97: {  	s13 =	simm.s32 $0x12C00  }
0x98: {  	[tilespmem:s13], [sflag:$0x6] =	stream.indirect_vreg.gather [hbm4b:s30+s2], $0x80, v2, vm0, $0xb8;
	[tilespmem:$0x1CC00] =	vst v63  }
0x99: {  	s10 =	simm.s32 $0x13400  }
0x9a: {  	[tilespmem:s10], [sflag:$0x6] =	stream.indirect_vreg.gather [hbm4b:s31+s2], $0x80, v2, vm0, $0xb8;
	[tilespmem:$0x1CC00] =	vst v63  }
0x9b: {  	s13 =	simm.s32 $0x13C00  }
0x9c: {  	[tilespmem:s13], [sflag:$0x6] =	stream.indirect_vreg.gather [hbm4b:s1+s2], $0x80, v2, vm0, $0xb8;
	[tilespmem:$0x1CC00] =	vst v63  }
0x9d: {  	s10 =	simm.s32 $0x14400  }
0x9e: {  	[tilespmem:s10], [sflag:$0x6] =	stream.indirect_vreg.gather [hbm4b:s8+s2], $0x80, v2, vm0, $0xb8;
	[tilespmem:$0x1CC00] =	vst v63  }
0x9f: {  	_ =	swait.ge [sflag:s11], $0x4000  }
0xa0: {  	[sflag:s11] =	ssyncset.done $0x0  }
0xa1: {  	s15 =	simm.s32 $0x4C00;
	s13 =	rddreg [dreg:$0x5];
	[sflag:s11] =	ssyncadd.s32 $0xFFFFC000  }
0xa2: {  	[hbm4b:s13+s6] =	stream.strided.scatter [tilespmem:s15], [sflag:$0xA], $0x4000, s0, s6, $0x38;
	[tilespmem:$0x1CC00] =	vst v63  }
0xa3: {  	v2 =	vld.msk [tilespmem:$0x280], $0x3;
	_ =	sdelay $0x4  }
0xa4: {  	v3 =	vshll.u32 v2, $0x6  }
0xa5: {  	v2 =	vand.u32 $0x7, v2;
	v3 =	vand.u32 $0xFFFFFE00, v3  }
0xa6: {  	v2 =	vor.u32 v2, v3  }
0xa7: {  	v2 =	vperm.xlane v2, v0;
	_ =	sdelay $0x1  }
0xa8: {  	v2 =	vadd.s32 v1, v2;
	_ =	sdelay $0x3  }
0xa9: {  	s15 =	simm.s32 $0x14C00  }
0xaa: {  	[tilespmem:s15], [sflag:$0x7] =	stream.indirect_vreg.gather [hbm4b:s4+s2], $0x80, v2, vm0, $0xb8;
	[tilespmem:$0x1CC00] =	vst v63  }
0xab: {  	s13 =	simm.s32 $0x15400  }
0xac: {  	[tilespmem:s13], [sflag:$0x7] =	stream.indirect_vreg.gather [hbm4b:s26+s2], $0x80, v2, vm0, $0xb8;
	[tilespmem:$0x1CC00] =	vst v63  }
0xad: {  	s13 =	simm.s32 $0x15C00  }
0xae: {  	[tilespmem:s13], [sflag:$0x7] =	stream.indirect_vreg.gather [hbm4b:s28+s2], $0x80, v2, vm0, $0xb8;
	[tilespmem:$0x1CC00] =	vst v63  }
0xaf: {  	s13 =	simm.s32 $0x16400  }
0xb0: {  	[tilespmem:s13], [sflag:$0x7] =	stream.indirect_vreg.gather [hbm4b:s29+s2], $0x80, v2, vm0, $0xb8;
	[tilespmem:$0x1CC00] =	vst v63  }
0xb1: {  	s13 =	simm.s32 $0x16C00  }
0xb2: {  	[tilespmem:s13], [sflag:$0x7] =	stream.indirect_vreg.gather [hbm4b:s30+s2], $0x80, v2, vm0, $0xb8;
	[tilespmem:$0x1CC00] =	vst v63  }
0xb3: {  	s13 =	simm.s32 $0x17400  }
0xb4: {  	[tilespmem:s13], [sflag:$0x7] =	stream.indirect_vreg.gather [hbm4b:s31+s2], $0x80, v2, vm0, $0xb8;
	[tilespmem:$0x1CC00] =	vst v63  }
0xb5: {  	s13 =	simm.s32 $0x17C00  }
0xb6: {  	[tilespmem:s13], [sflag:$0x7] =	stream.indirect_vreg.gather [hbm4b:s1+s2], $0x80, v2, vm0, $0xb8;
	[tilespmem:$0x1CC00] =	vst v63  }
0xb7: {  	s13 =	simm.s32 $0x18400  }
0xb8: {  	[tilespmem:s13], [sflag:$0x7] =	stream.indirect_vreg.gather [hbm4b:s8+s2], $0x80, v2, vm0, $0xb8;
	[tilespmem:$0x1CC00] =	vst v63  }
0xb9: {  	_ =	swait.ge [sflag:s14], $0x4000  }
0xba: {  	[sflag:s14] =	ssyncset.done $0x0  }
0xbb: {  	s20 =	simm.s32 $0x8C00;
	s13 =	rddreg [dreg:$0x6];
	[sflag:s14] =	ssyncadd.s32 $0xFFFFC000  }
0xbc: {  	[hbm4b:s13+s6] =	stream.strided.scatter [tilespmem:s20], [sflag:$0xB], $0x4000, s0, s6, $0x38;
	[tilespmem:$0x1CC00] =	vst v63  }
0xbd: {  	v2 =	vld.msk [tilespmem:$0x300], $0x3;
	_ =	sdelay $0x4  }
0xbe: {  	v3 =	vshll.u32 v2, $0x6  }
0xbf: {  	v2 =	vand.u32 $0x7, v2;
	v3 =	vand.u32 $0xFFFFFE00, v3  }
0xc0: {  	v2 =	vor.u32 v2, v3  }
0xc1: {  	v2 =	vperm.xlane v2, v0;
	_ =	sdelay $0x1  }
0xc2: {  	v2 =	vadd.s32 v1, v2;
	_ =	sdelay $0x3  }
0xc3: {  	s20 =	simm.s32 $0x18C00  }
0xc4: {  	[tilespmem:s20], [sflag:$0x8] =	stream.indirect_vreg.gather [hbm4b:s4+s2], $0x80, v2, vm0, $0xb8;
	[tilespmem:$0x1CC00] =	vst v63  }
0xc5: {  	s20 =	simm.s32 $0x19400  }
0xc6: {  	[tilespmem:s20], [sflag:$0x8] =	stream.indirect_vreg.gather [hbm4b:s26+s2], $0x80, v2, vm0, $0xb8;
	[tilespmem:$0x1CC00] =	vst v63  }
0xc7: {  	s20 =	simm.s32 $0x19C00  }
0xc8: {  	[tilespmem:s20], [sflag:$0x8] =	stream.indirect_vreg.gather [hbm4b:s28+s2], $0x80, v2, vm0, $0xb8;
	[tilespmem:$0x1CC00] =	vst v63  }
0xc9: {  	s20 =	simm.s32 $0x1A400  }
0xca: {  	[tilespmem:s20], [sflag:$0x8] =	stream.indirect_vreg.gather [hbm4b:s29+s2], $0x80, v2, vm0, $0xb8;
	[tilespmem:$0x1CC00] =	vst v63  }
0xcb: {  	s20 =	simm.s32 $0x1AC00  }
0xcc: {  	[tilespmem:s20], [sflag:$0x8] =	stream.indirect_vreg.gather [hbm4b:s30+s2], $0x80, v2, vm0, $0xb8;
	[tilespmem:$0x1CC00] =	vst v63  }
0xcd: {  	s20 =	simm.s32 $0x1B400  }
0xce: {  	[tilespmem:s20], [sflag:$0x8] =	stream.indirect_vreg.gather [hbm4b:s31+s2], $0x80, v2, vm0, $0xb8;
	[tilespmem:$0x1CC00] =	vst v63  }
0xcf: {  	s20 =	simm.s32 $0x1BC00  }
0xd0: {  	[tilespmem:s20], [sflag:$0x8] =	stream.indirect_vreg.gather [hbm4b:s1+s2], $0x80, v2, vm0, $0xb8;
	[tilespmem:$0x1CC00] =	vst v63  }
0xd1: {  	s20 =	simm.s32 $0x1C400  }
0xd2: {  	[tilespmem:s20], [sflag:$0x8] =	stream.indirect_vreg.gather [hbm4b:s8+s2], $0x80, v2, vm0, $0xb8;
	[tilespmem:$0x1CC00] =	vst v63  }
0xd3: {  	s20 =	simm.s32 $0x5  }
0xd4: {  	_ =	swait.ge [sflag:s20], $0x4000  }
0xd5: {  	[sflag:s20] =	ssyncset.done $0x0  }
0xd6: {  	s17 =	simm.s32 $0xCC00;
	s10 =	rddreg [dreg:$0x7];
	[sflag:s20] =	ssyncadd.s32 $0xFFFFC000  }
0xd7: {  	[hbm4b:s10+s6] =	stream.strided.scatter [tilespmem:s17], [sflag:$0xC], $0x4000, s0, s6, $0x38;
	[tilespmem:$0x1CC00] =	vst v63  }
0xd8: {  	s17 =	simm.s32 $0x9  }
0xd9: {  	_ =	swait.ge [sflag:s17], $0x4000  }
0xda: {  	[sflag:s17] =	ssyncset.done $0x0  }
0xdb: {  	[sflag:s17] =	ssyncadd.s32 $0xFFFFC000  }
0xdc: {  	v2 =	vld.msk [tilespmem:$0x380], $0x3;
	_ =	sdelay $0x4  }
0xdd: {  	v3 =	vshll.u32 v2, $0x6  }
0xde: {  	v2 =	vand.u32 $0x7, v2;
	v3 =	vand.u32 $0xFFFFFE00, v3  }
0xdf: {  	v2 =	vor.u32 v2, v3  }
0xe0: {  	v2 =	vperm.xlane v2, v0;
	_ =	sdelay $0x1  }
0xe1: {  	v2 =	vadd.s32 v1, v2;
	_ =	sdelay $0x3  }
0xe2: {  	s3 =	simm.s32 $0xC00  }
0xe3: {  	[tilespmem:s3], [sflag:$0x2] =	stream.indirect_vreg.gather [hbm4b:s4+s2], $0x80, v2, vm0, $0xb8;
	[tilespmem:$0x1CC00] =	vst v63  }
0xe4: {  	s19 =	simm.s32 $0x1400  }
0xe5: {  	[tilespmem:s19], [sflag:$0x2] =	stream.indirect_vreg.gather [hbm4b:s26+s2], $0x80, v2, vm0, $0xb8;
	[tilespmem:$0x1CC00] =	vst v63  }
0xe6: {  	s25 =	simm.s32 $0x1C00  }
0xe7: {  	[tilespmem:s25], [sflag:$0x2] =	stream.indirect_vreg.gather [hbm4b:s28+s2], $0x80, v2, vm0, $0xb8;
	[tilespmem:$0x1CC00] =	vst v63  }
0xe8: {  	s24 =	simm.s32 $0x2400  }
0xe9: {  	[tilespmem:s24], [sflag:$0x2] =	stream.indirect_vreg.gather [hbm4b:s29+s2], $0x80, v2, vm0, $0xb8;
	[tilespmem:$0x1CC00] =	vst v63  }
0xea: {  	s22 =	simm.s32 $0x2C00  }
0xeb: {  	[tilespmem:s22], [sflag:$0x2] =	stream.indirect_vreg.gather [hbm4b:s30+s2], $0x80, v2, vm0, $0xb8;
	[tilespmem:$0x1CC00] =	vst v63  }
0xec: {  	s21 =	simm.s32 $0x3400  }
0xed: {  	[tilespmem:s21], [sflag:$0x2] =	stream.indirect_vreg.gather [hbm4b:s31+s2], $0x80, v2, vm0, $0xb8;
	[tilespmem:$0x1CC00] =	vst v63  }
0xee: {  	s18 =	simm.s32 $0x3C00  }
0xef: {  	[tilespmem:s18], [sflag:$0x2] =	stream.indirect_vreg.gather [hbm4b:s1+s2], $0x80, v2, vm0, $0xb8;
	[tilespmem:$0x1CC00] =	vst v63  }
0xf0: {  	s16 =	simm.s32 $0x4400;
	s21 =	simm.s32 $0x6  }
0xf1: {  	[tilespmem:s16], [sflag:$0x2] =	stream.indirect_vreg.gather [hbm4b:s8+s2], $0x80, v2, vm0, $0xb8;
	[tilespmem:$0x1CC00] =	vst v63  }
0xf2: {  	_ =	swait.ge [sflag:s21], $0x4000  }
0xf3: {  	s7 =	simm.s32 $0x10C00;
	[sflag:s21] =	ssyncset.done $0x0  }
0xf4: {  	s19 =	simm.s32 $0xA;
	s24 =	rddreg [dreg:$0x8];
	[sflag:s21] =	ssyncadd.s32 $0xFFFFC000  }
0xf5: {  	[hbm4b:s24+s6] =	stream.strided.scatter [tilespmem:s7], [sflag:$0xD], $0x4000, s0, s6, $0x38;
	[tilespmem:$0x1CC00] =	vst v63  }
0xf6: {  	_ =	swait.ge [sflag:s19], $0x4000  }
0xf7: {  	[sflag:s19] =	ssyncset.done $0x0  }
0xf8: {  	[sflag:s19] =	ssyncadd.s32 $0xFFFFC000  }
0xf9: {  	v2 =	vld.msk [tilespmem:$0x400], $0x3;
	_ =	sdelay $0x4  }
0xfa: {  	v3 =	vshll.u32 v2, $0x6  }
0xfb: {  	v2 =	vand.u32 $0x7, v2;
	v3 =	vand.u32 $0xFFFFFE00, v3  }
0xfc: {  	v2 =	vor.u32 v2, v3  }
0xfd: {  	v2 =	vperm.xlane v2, v0;
	_ =	sdelay $0x1  }
0xfe: {  	v2 =	vadd.s32 v1, v2;
	_ =	sdelay $0x3  }
0xff: {  	s5 =	simm.s32 $0x4C00  }
0x100: {  	[tilespmem:s5], [sflag:$0x3] =	stream.indirect_vreg.gather [hbm4b:s4+s2], $0x80, v2, vm0, $0xb8;
	[tilespmem:$0x1CC00] =	vst v63  }
0x101: {  	s23 =	simm.s32 $0x5400  }
0x102: {  	[tilespmem:s23], [sflag:$0x3] =	stream.indirect_vreg.gather [hbm4b:s26+s2], $0x80, v2, vm0, $0xb8;
	[tilespmem:$0x1CC00] =	vst v63  }
0x103: {  	s25 =	simm.s32 $0x5C00  }
0x104: {  	[tilespmem:s25], [sflag:$0x3] =	stream.indirect_vreg.gather [hbm4b:s28+s2], $0x80, v2, vm0, $0xb8;
	[tilespmem:$0x1CC00] =	vst v63  }
0x105: {  	s5 =	simm.s32 $0x6400  }
0x106: {  	[tilespmem:s5], [sflag:$0x3] =	stream.indirect_vreg.gather [hbm4b:s29+s2], $0x80, v2, vm0, $0xb8;
	[tilespmem:$0x1CC00] =	vst v63  }
0x107: {  	s7 =	simm.s32 $0x6C00  }
0x108: {  	[tilespmem:s7], [sflag:$0x3] =	stream.indirect_vreg.gather [hbm4b:s30+s2], $0x80, v2, vm0, $0xb8;
	[tilespmem:$0x1CC00] =	vst v63  }
0x109: {  	s10 =	simm.s32 $0x7400  }
0x10a: {  	[tilespmem:s10], [sflag:$0x3] =	stream.indirect_vreg.gather [hbm4b:s31+s2], $0x80, v2, vm0, $0xb8;
	[tilespmem:$0x1CC00] =	vst v63  }
0x10b: {  	s22 =	simm.s32 $0x7C00  }
0x10c: {  	[tilespmem:s22], [sflag:$0x3] =	stream.indirect_vreg.gather [hbm4b:s1+s2], $0x80, v2, vm0, $0xb8;
	[tilespmem:$0x1CC00] =	vst v63  }
0x10d: {  	s23 =	simm.s32 $0x8400;
	s22 =	simm.s32 $0x7  }
0x10e: {  	[tilespmem:s23], [sflag:$0x3] =	stream.indirect_vreg.gather [hbm4b:s8+s2], $0x80, v2, vm0, $0xb8;
	[tilespmem:$0x1CC00] =	vst v63  }
0x10f: {  	_ =	swait.ge [sflag:s22], $0x4000  }
0x110: {  	s15 =	simm.s32 $0x14C00;
	[sflag:s22] =	ssyncset.done $0x0  }
0x111: {  	s5 =	simm.s32 $0xB;
	s24 =	rddreg [dreg:$0x9];
	[sflag:s22] =	ssyncadd.s32 $0xFFFFC000  }
0x112: {  	[hbm4b:s24+s6] =	stream.strided.scatter [tilespmem:s15], [sflag:$0xE], $0x4000, s0, s6, $0x38;
	[tilespmem:$0x1CC00] =	vst v63  }
0x113: {  	_ =	swait.ge [sflag:s5], $0x4000  }
0x114: {  	[sflag:s5] =	ssyncset.done $0x0  }
0x115: {  	[sflag:s5] =	ssyncadd.s32 $0xFFFFC000  }
0x116: {  	v2 =	vld.msk [tilespmem:$0x480], $0x3;
	_ =	sdelay $0x4  }
0x117: {  	v3 =	vshll.u32 v2, $0x6  }
0x118: {  	v2 =	vand.u32 $0x7, v2;
	v3 =	vand.u32 $0xFFFFFE00, v3  }
0x119: {  	v2 =	vor.u32 v2, v3  }
0x11a: {  	v2 =	vperm.xlane v2, v0;
	_ =	sdelay $0x1  }
0x11b: {  	v2 =	vadd.s32 v1, v2;
	_ =	sdelay $0x3  }
0x11c: {  	s13 =	simm.s32 $0x8C00  }
0x11d: {  	[tilespmem:s13], [sflag:$0x4] =	stream.indirect_vreg.gather [hbm4b:s4+s2], $0x80, v2, vm0, $0xb8;
	[tilespmem:$0x1CC00] =	vst v63  }
0x11e: {  	s25 =	simm.s32 $0x9400  }
0x11f: {  	[tilespmem:s25], [sflag:$0x4] =	stream.indirect_vreg.gather [hbm4b:s26+s2], $0x80, v2, vm0, $0xb8;
	[tilespmem:$0x1CC00] =	vst v63  }
0x120: {  	s7 =	simm.s32 $0x9C00  }
0x121: {  	[tilespmem:s7], [sflag:$0x4] =	stream.indirect_vreg.gather [hbm4b:s28+s2], $0x80, v2, vm0, $0xb8;
	[tilespmem:$0x1CC00] =	vst v63  }
0x122: {  	s10 =	simm.s32 $0xA400  }
0x123: {  	[tilespmem:s10], [sflag:$0x4] =	stream.indirect_vreg.gather [hbm4b:s29+s2], $0x80, v2, vm0, $0xb8;
	[tilespmem:$0x1CC00] =	vst v63  }
0x124: {  	s13 =	simm.s32 $0xAC00  }
0x125: {  	[tilespmem:s13], [sflag:$0x4] =	stream.indirect_vreg.gather [hbm4b:s30+s2], $0x80, v2, vm0, $0xb8;
	[tilespmem:$0x1CC00] =	vst v63  }
0x126: {  	s15 =	simm.s32 $0xB400  }
0x127: {  	[tilespmem:s15], [sflag:$0x4] =	stream.indirect_vreg.gather [hbm4b:s31+s2], $0x80, v2, vm0, $0xb8;
	[tilespmem:$0x1CC00] =	vst v63  }
0x128: {  	s24 =	simm.s32 $0xBC00  }
0x129: {  	[tilespmem:s24], [sflag:$0x4] =	stream.indirect_vreg.gather [hbm4b:s1+s2], $0x80, v2, vm0, $0xb8;
	[tilespmem:$0x1CC00] =	vst v63  }
0x12a: {  	s25 =	simm.s32 $0xC400;
	s24 =	simm.s32 $0x8  }
0x12b: {  	[tilespmem:s25], [sflag:$0x4] =	stream.indirect_vreg.gather [hbm4b:s8+s2], $0x80, v2, vm0, $0xb8;
	[tilespmem:$0x1CC00] =	vst v63  }
0x12c: {  	_ =	swait.ge [sflag:s24], $0x4000  }
0x12d: {  	s15 =	simm.s32 $0x18C00;
	[sflag:s24] =	ssyncset.done $0x0  }
0x12e: {  	s25 =	simm.s32 $0xC;
	s7 =	rddreg [dreg:$0xa];
	[sflag:s24] =	ssyncadd.s32 $0xFFFFC000  }
0x12f: {  	[hbm4b:s7+s6] =	stream.strided.scatter [tilespmem:s15], [sflag:$0xF], $0x4000, s0, s6, $0x38;
	[tilespmem:$0x1CC00] =	vst v63  }
0x130: {  	_ =	swait.ge [sflag:s25], $0x4000  }
0x131: {  	[sflag:s25] =	ssyncset.done $0x0  }
0x132: {  	[sflag:s25] =	ssyncadd.s32 $0xFFFFC000  }
0x133: {  	v2 =	vld.msk [tilespmem:$0x500], $0x3;
	_ =	sdelay $0x4  }
0x134: {  	v3 =	vshll.u32 v2, $0x6  }
0x135: {  	v2 =	vand.u32 $0x7, v2;
	v3 =	vand.u32 $0xFFFFFE00, v3  }
0x136: {  	v2 =	vor.u32 v2, v3  }
0x137: {  	v2 =	vperm.xlane v2, v0;
	_ =	sdelay $0x1  }
0x138: {  	v2 =	vadd.s32 v1, v2;
	_ =	sdelay $0x3  }
0x139: {  	s13 =	simm.s32 $0xCC00  }
0x13a: {  	[tilespmem:s13], [sflag:$0x5] =	stream.indirect_vreg.gather [hbm4b:s4+s2], $0x80, v2, vm0, $0xb8;
	[tilespmem:$0x1CC00] =	vst v63  }
0x13b: {  	s10 =	simm.s32 $0xD400  }
0x13c: {  	[tilespmem:s10], [sflag:$0x5] =	stream.indirect_vreg.gather [hbm4b:s26+s2], $0x80, v2, vm0, $0xb8;
	[tilespmem:$0x1CC00] =	vst v63  }
0x13d: {  	s7 =	simm.s32 $0xDC00  }
0x13e: {  	[tilespmem:s7], [sflag:$0x5] =	stream.indirect_vreg.gather [hbm4b:s28+s2], $0x80, v2, vm0, $0xb8;
	[tilespmem:$0x1CC00] =	vst v63  }
0x13f: {  	s10 =	simm.s32 $0xE400  }
0x140: {  	[tilespmem:s10], [sflag:$0x5] =	stream.indirect_vreg.gather [hbm4b:s29+s2], $0x80, v2, vm0, $0xb8;
	[tilespmem:$0x1CC00] =	vst v63  }
0x141: {  	s7 =	simm.s32 $0xEC00  }
0x142: {  	[tilespmem:s7], [sflag:$0x5] =	stream.indirect_vreg.gather [hbm4b:s30+s2], $0x80, v2, vm0, $0xb8;
	[tilespmem:$0x1CC00] =	vst v63  }
0x143: {  	s10 =	simm.s32 $0xF400  }
0x144: {  	[tilespmem:s10], [sflag:$0x5] =	stream.indirect_vreg.gather [hbm4b:s31+s2], $0x80, v2, vm0, $0xb8;
	[tilespmem:$0x1CC00] =	vst v63  }
0x145: {  	s7 =	simm.s32 $0xFC00  }
0x146: {  	[tilespmem:s7], [sflag:$0x5] =	stream.indirect_vreg.gather [hbm4b:s1+s2], $0x80, v2, vm0, $0xb8;
	[tilespmem:$0x1CC00] =	vst v63  }
0x147: {  	s10 =	simm.s32 $0x10400  }
0x148: {  	[tilespmem:s10], [sflag:$0x5] =	stream.indirect_vreg.gather [hbm4b:s8+s2], $0x80, v2, vm0, $0xb8;
	[tilespmem:$0x1CC00] =	vst v63  }
0x149: {  	_ =	swait.ge [sflag:s9], $0x4000  }
0x14a: {  	[sflag:s9] =	ssyncset.done $0x0  }
0x14b: {  	s7 =	simm.s32 $0xC00;
	s3 =	rddreg [dreg:$0xb];
	[sflag:s9] =	ssyncadd.s32 $0xFFFFC000  }
0x14c: {  	[hbm4b:s3+s6] =	stream.strided.scatter [tilespmem:s7], [sflag:$0x9], $0x4000, s0, s6, $0x38;
	[tilespmem:$0x1CC00] =	vst v63  }
0x14d: {  	s3 =	simm.s32 $0xD  }
0x14e: {  	_ =	swait.ge [sflag:s3], $0x4000  }
0x14f: {  	[sflag:s3] =	ssyncset.done $0x0  }
0x150: {  	[sflag:s3] =	ssyncadd.s32 $0xFFFFC000  }
0x151: {  	v2 =	vld.msk [tilespmem:$0x580], $0x3;
	_ =	sdelay $0x4  }
0x152: {  	v3 =	vshll.u32 v2, $0x6  }
0x153: {  	v2 =	vand.u32 $0x7, v2;
	v3 =	vand.u32 $0xFFFFFE00, v3  }
0x154: {  	v2 =	vor.u32 v2, v3  }
0x155: {  	v2 =	vperm.xlane v2, v0;
	_ =	sdelay $0x1  }
0x156: {  	v2 =	vadd.s32 v1, v2;
	_ =	sdelay $0x3  }
0x157: {  	s16 =	simm.s32 $0x10C00  }
0x158: {  	[tilespmem:s16], [sflag:$0x6] =	stream.indirect_vreg.gather [hbm4b:s4+s2], $0x80, v2, vm0, $0xb8;
	[tilespmem:$0x1CC00] =	vst v63  }
0x159: {  	s16 =	simm.s32 $0x11400  }
0x15a: {  	[tilespmem:s16], [sflag:$0x6] =	stream.indirect_vreg.gather [hbm4b:s26+s2], $0x80, v2, vm0, $0xb8;
	[tilespmem:$0x1CC00] =	vst v63  }
0x15b: {  	s16 =	simm.s32 $0x11C00  }
0x15c: {  	[tilespmem:s16], [sflag:$0x6] =	stream.indirect_vreg.gather [hbm4b:s28+s2], $0x80, v2, vm0, $0xb8;
	[tilespmem:$0x1CC00] =	vst v63  }
0x15d: {  	s16 =	simm.s32 $0x12400  }
0x15e: {  	[tilespmem:s16], [sflag:$0x6] =	stream.indirect_vreg.gather [hbm4b:s29+s2], $0x80, v2, vm0, $0xb8;
	[tilespmem:$0x1CC00] =	vst v63  }
0x15f: {  	s16 =	simm.s32 $0x12C00  }
0x160: {  	[tilespmem:s16], [sflag:$0x6] =	stream.indirect_vreg.gather [hbm4b:s30+s2], $0x80, v2, vm0, $0xb8;
	[tilespmem:$0x1CC00] =	vst v63  }
0x161: {  	s16 =	simm.s32 $0x13400  }
0x162: {  	[tilespmem:s16], [sflag:$0x6] =	stream.indirect_vreg.gather [hbm4b:s31+s2], $0x80, v2, vm0, $0xb8;
	[tilespmem:$0x1CC00] =	vst v63  }
0x163: {  	s16 =	simm.s32 $0x13C00  }
0x164: {  	[tilespmem:s16], [sflag:$0x6] =	stream.indirect_vreg.gather [hbm4b:s1+s2], $0x80, v2, vm0, $0xb8;
	[tilespmem:$0x1CC00] =	vst v63  }
0x165: {  	s16 =	simm.s32 $0x14400  }
0x166: {  	[tilespmem:s16], [sflag:$0x6] =	stream.indirect_vreg.gather [hbm4b:s8+s2], $0x80, v2, vm0, $0xb8;
	[tilespmem:$0x1CC00] =	vst v63  }
0x167: {  	_ =	swait.ge [sflag:s11], $0x4000  }
0x168: {  	[sflag:s11] =	ssyncset.done $0x0  }
0x169: {  	s18 =	simm.s32 $0x4C00;
	s16 =	rddreg [dreg:$0xc];
	[sflag:s11] =	ssyncadd.s32 $0xFFFFC000  }
0x16a: {  	[hbm4b:s16+s6] =	stream.strided.scatter [tilespmem:s18], [sflag:$0xA], $0x4000, s0, s6, $0x38;
	[tilespmem:$0x1CC00] =	vst v63  }
0x16b: {  	s18 =	simm.s32 $0xE  }
0x16c: {  	_ =	swait.ge [sflag:s18], $0x4000  }
0x16d: {  	[sflag:s18] =	ssyncset.done $0x0  }
0x16e: {  	[sflag:s18] =	ssyncadd.s32 $0xFFFFC000  }
0x16f: {  	v2 =	vld.msk [tilespmem:$0x600], $0x3;
	_ =	sdelay $0x4  }
0x170: {  	v3 =	vshll.u32 v2, $0x6  }
0x171: {  	v2 =	vand.u32 $0x7, v2;
	v3 =	vand.u32 $0xFFFFFE00, v3  }
0x172: {  	v2 =	vor.u32 v2, v3  }
0x173: {  	v2 =	vperm.xlane v2, v0;
	_ =	sdelay $0x1  }
0x174: {  	v2 =	vadd.s32 v1, v2;
	_ =	sdelay $0x3  }
0x175: {  	s23 =	simm.s32 $0x14C00  }
0x176: {  	[tilespmem:s23], [sflag:$0x7] =	stream.indirect_vreg.gather [hbm4b:s4+s2], $0x80, v2, vm0, $0xb8;
	[tilespmem:$0x1CC00] =	vst v63  }
0x177: {  	s23 =	simm.s32 $0x15400  }
0x178: {  	[tilespmem:s23], [sflag:$0x7] =	stream.indirect_vreg.gather [hbm4b:s26+s2], $0x80, v2, vm0, $0xb8;
	[tilespmem:$0x1CC00] =	vst v63  }
0x179: {  	s16 =	simm.s32 $0x15C00  }
0x17a: {  	[tilespmem:s16], [sflag:$0x7] =	stream.indirect_vreg.gather [hbm4b:s28+s2], $0x80, v2, vm0, $0xb8;
	[tilespmem:$0x1CC00] =	vst v63  }
0x17b: {  	s23 =	simm.s32 $0x16400  }
0x17c: {  	[tilespmem:s23], [sflag:$0x7] =	stream.indirect_vreg.gather [hbm4b:s29+s2], $0x80, v2, vm0, $0xb8;
	[tilespmem:$0x1CC00] =	vst v63  }
0x17d: {  	s16 =	simm.s32 $0x16C00  }
0x17e: {  	[tilespmem:s16], [sflag:$0x7] =	stream.indirect_vreg.gather [hbm4b:s30+s2], $0x80, v2, vm0, $0xb8;
	[tilespmem:$0x1CC00] =	vst v63  }
0x17f: {  	s23 =	simm.s32 $0x17400  }
0x180: {  	[tilespmem:s23], [sflag:$0x7] =	stream.indirect_vreg.gather [hbm4b:s31+s2], $0x80, v2, vm0, $0xb8;
	[tilespmem:$0x1CC00] =	vst v63  }
0x181: {  	s16 =	simm.s32 $0x17C00  }
0x182: {  	[tilespmem:s16], [sflag:$0x7] =	stream.indirect_vreg.gather [hbm4b:s1+s2], $0x80, v2, vm0, $0xb8;
	[tilespmem:$0x1CC00] =	vst v63  }
0x183: {  	s23 =	simm.s32 $0x18400  }
0x184: {  	[tilespmem:s23], [sflag:$0x7] =	stream.indirect_vreg.gather [hbm4b:s8+s2], $0x80, v2, vm0, $0xb8;
	[tilespmem:$0x1CC00] =	vst v63  }
0x185: {  	_ =	swait.ge [sflag:s14], $0x4000  }
0x186: {  	[sflag:s14] =	ssyncset.done $0x0  }
0x187: {  	s23 =	simm.s32 $0x8C00;
	s16 =	rddreg [dreg:$0xd];
	[sflag:s14] =	ssyncadd.s32 $0xFFFFC000  }
0x188: {  	[hbm4b:s16+s6] =	stream.strided.scatter [tilespmem:s23], [sflag:$0xB], $0x4000, s0, s6, $0x38;
	[tilespmem:$0x1CC00] =	vst v63  }
0x189: {  	s16 =	simm.s32 $0xF  }
0x18a: {  	_ =	swait.ge [sflag:s16], $0x4000  }
0x18b: {  	[sflag:s16] =	ssyncset.done $0x0  }
0x18c: {  	[sflag:s16] =	ssyncadd.s32 $0xFFFFC000  }
0x18d: {  	v2 =	vld.msk [tilespmem:$0x680], $0x3;
	_ =	sdelay $0x4  }
0x18e: {  	v3 =	vshll.u32 v2, $0x6  }
0x18f: {  	v2 =	vand.u32 $0x7, v2;
	v3 =	vand.u32 $0xFFFFFE00, v3  }
0x190: {  	v2 =	vor.u32 v2, v3  }
0x191: {  	v2 =	vperm.xlane v2, v0;
	_ =	sdelay $0x1  }
0x192: {  	v2 =	vadd.s32 v1, v2;
	_ =	sdelay $0x4  }
0x193: {  	[tilespmem:s15], [sflag:$0x8] =	stream.indirect_vreg.gather [hbm4b:s4+s2], $0x80, v2, vm0, $0xb8;
	[tilespmem:$0x1CC00] =	vst v63  }
0x194: {  	s10 =	simm.s32 $0x19400  }
0x195: {  	[tilespmem:s10], [sflag:$0x8] =	stream.indirect_vreg.gather [hbm4b:s26+s2], $0x80, v2, vm0, $0xb8;
	[tilespmem:$0x1CC00] =	vst v63  }
0x196: {  	s10 =	simm.s32 $0x19C00  }
0x197: {  	[tilespmem:s10], [sflag:$0x8] =	stream.indirect_vreg.gather [hbm4b:s28+s2], $0x80, v2, vm0, $0xb8;
	[tilespmem:$0x1CC00] =	vst v63  }
0x198: {  	s10 =	simm.s32 $0x1A400  }
0x199: {  	[tilespmem:s10], [sflag:$0x8] =	stream.indirect_vreg.gather [hbm4b:s29+s2], $0x80, v2, vm0, $0xb8;
	[tilespmem:$0x1CC00] =	vst v63  }
0x19a: {  	s10 =	simm.s32 $0x1AC00  }
0x19b: {  	[tilespmem:s10], [sflag:$0x8] =	stream.indirect_vreg.gather [hbm4b:s30+s2], $0x80, v2, vm0, $0xb8;
	[tilespmem:$0x1CC00] =	vst v63  }
0x19c: {  	s10 =	simm.s32 $0x1B400  }
0x19d: {  	[tilespmem:s10], [sflag:$0x8] =	stream.indirect_vreg.gather [hbm4b:s31+s2], $0x80, v2, vm0, $0xb8;
	[tilespmem:$0x1CC00] =	vst v63  }
0x19e: {  	s10 =	simm.s32 $0x1BC00  }
0x19f: {  	[tilespmem:s10], [sflag:$0x8] =	stream.indirect_vreg.gather [hbm4b:s1+s2], $0x80, v2, vm0, $0xb8;
	[tilespmem:$0x1CC00] =	vst v63  }
0x1a0: {  	s10 =	simm.s32 $0x1C400  }
0x1a1: {  	[tilespmem:s10], [sflag:$0x8] =	stream.indirect_vreg.gather [hbm4b:s8+s2], $0x80, v2, vm0, $0xb8;
	[tilespmem:$0x1CC00] =	vst v63  }
0x1a2: {  	_ =	swait.ge [sflag:s20], $0x4000  }
0x1a3: {  	[sflag:s20] =	ssyncset.done $0x0  }
0x1a4: {  	s10 =	rddreg [dreg:$0xe];
	[sflag:s20] =	ssyncadd.s32 $0xFFFFC000  }
0x1a5: {  	[hbm4b:s10+s6] =	stream.strided.scatter [tilespmem:s13], [sflag:$0xC], $0x4000, s0, s6, $0x38;
	[tilespmem:$0x1CC00] =	vst v63  }
0x1a6: {  	_ =	swait.ge [sflag:s17], $0x4000  }
0x1a7: {  	[sflag:s17] =	ssyncset.done $0x0  }
0x1a8: {  	[sflag:s17] =	ssyncadd.s32 $0xFFFFC000  }
0x1a9: {  	v2 =	vld.msk [tilespmem:$0x700], $0x3;
	_ =	sdelay $0x4  }
0x1aa: {  	v3 =	vshll.u32 v2, $0x6  }
0x1ab: {  	v2 =	vand.u32 $0x7, v2;
	v3 =	vand.u32 $0xFFFFFE00, v3  }
0x1ac: {  	v2 =	vor.u32 v2, v3  }
0x1ad: {  	v2 =	vperm.xlane v2, v0;
	_ =	sdelay $0x1  }
0x1ae: {  	v2 =	vadd.s32 v1, v2;
	_ =	sdelay $0x4  }
0x1af: {  	[tilespmem:s7], [sflag:$0x2] =	stream.indirect_vreg.gather [hbm4b:s4+s2], $0x80, v2, vm0, $0xb8;
	[tilespmem:$0x1CC00] =	vst v63  }
0x1b0: {  	s7 =	simm.s32 $0x1400  }
0x1b1: {  	[tilespmem:s7], [sflag:$0x2] =	stream.indirect_vreg.gather [hbm4b:s26+s2], $0x80, v2, vm0, $0xb8;
	[tilespmem:$0x1CC00] =	vst v63  }
0x1b2: {  	s7 =	simm.s32 $0x1C00  }
0x1b3: {  	[tilespmem:s7], [sflag:$0x2] =	stream.indirect_vreg.gather [hbm4b:s28+s2], $0x80, v2, vm0, $0xb8;
	[tilespmem:$0x1CC00] =	vst v63  }
0x1b4: {  	s7 =	simm.s32 $0x2400  }
0x1b5: {  	[tilespmem:s7], [sflag:$0x2] =	stream.indirect_vreg.gather [hbm4b:s29+s2], $0x80, v2, vm0, $0xb8;
	[tilespmem:$0x1CC00] =	vst v63  }
0x1b6: {  	s7 =	simm.s32 $0x2C00  }
0x1b7: {  	[tilespmem:s7], [sflag:$0x2] =	stream.indirect_vreg.gather [hbm4b:s30+s2], $0x80, v2, vm0, $0xb8;
	[tilespmem:$0x1CC00] =	vst v63  }
0x1b8: {  	s7 =	simm.s32 $0x3400  }
0x1b9: {  	[tilespmem:s7], [sflag:$0x2] =	stream.indirect_vreg.gather [hbm4b:s31+s2], $0x80, v2, vm0, $0xb8;
	[tilespmem:$0x1CC00] =	vst v63  }
0x1ba: {  	s7 =	simm.s32 $0x3C00  }
0x1bb: {  	[tilespmem:s7], [sflag:$0x2] =	stream.indirect_vreg.gather [hbm4b:s1+s2], $0x80, v2, vm0, $0xb8;
	[tilespmem:$0x1CC00] =	vst v63  }
0x1bc: {  	s7 =	simm.s32 $0x4400  }
0x1bd: {  	[tilespmem:s7], [sflag:$0x2] =	stream.indirect_vreg.gather [hbm4b:s8+s2], $0x80, v2, vm0, $0xb8;
	[tilespmem:$0x1CC00] =	vst v63  }
0x1be: {  	_ =	swait.ge [sflag:s21], $0x4000  }
0x1bf: {  	[sflag:s21] =	ssyncset.done $0x0  }
0x1c0: {  	s7 =	simm.s32 $0x10C00;
	s10 =	rddreg [dreg:$0xf];
	[sflag:s21] =	ssyncadd.s32 $0xFFFFC000  }
0x1c1: {  	[hbm4b:s10+s6] =	stream.strided.scatter [tilespmem:s7], [sflag:$0xD], $0x4000, s0, s6, $0x38;
	[tilespmem:$0x1CC00] =	vst v63  }
0x1c2: {  	_ =	swait.ge [sflag:s19], $0x4000  }
0x1c3: {  	[sflag:s19] =	ssyncset.done $0x0  }
0x1c4: {  	[sflag:s19] =	ssyncadd.s32 $0xFFFFC000  }
0x1c5: {  	v2 =	vld.msk [tilespmem:$0x780], $0x3;
	_ =	sdelay $0x4  }
0x1c6: {  	v3 =	vshll.u32 v2, $0x6  }
0x1c7: {  	v2 =	vand.u32 $0x7, v2;
	v3 =	vand.u32 $0xFFFFFE00, v3  }
0x1c8: {  	v2 =	vor.u32 v2, v3  }
0x1c9: {  	v2 =	vperm.xlane v2, v0;
	_ =	sdelay $0x1  }
0x1ca: {  	v2 =	vadd.s32 v1, v2;
	_ =	sdelay $0x3  }
0x1cb: {  	s10 =	simm.s32 $0x4C00  }
0x1cc: {  	[tilespmem:s10], [sflag:$0x3] =	stream.indirect_vreg.gather [hbm4b:s4+s2], $0x80, v2, vm0, $0xb8;
	[tilespmem:$0x1CC00] =	vst v63  }
0x1cd: {  	s7 =	simm.s32 $0x5400  }
0x1ce: {  	[tilespmem:s7], [sflag:$0x3] =	stream.indirect_vreg.gather [hbm4b:s26+s2], $0x80, v2, vm0, $0xb8;
	[tilespmem:$0x1CC00] =	vst v63  }
0x1cf: {  	s7 =	simm.s32 $0x5C00  }
0x1d0: {  	[tilespmem:s7], [sflag:$0x3] =	stream.indirect_vreg.gather [hbm4b:s28+s2], $0x80, v2, vm0, $0xb8;
	[tilespmem:$0x1CC00] =	vst v63  }
0x1d1: {  	s7 =	simm.s32 $0x6400  }
0x1d2: {  	[tilespmem:s7], [sflag:$0x3] =	stream.indirect_vreg.gather [hbm4b:s29+s2], $0x80, v2, vm0, $0xb8;
	[tilespmem:$0x1CC00] =	vst v63  }
0x1d3: {  	s7 =	simm.s32 $0x6C00  }
0x1d4: {  	[tilespmem:s7], [sflag:$0x3] =	stream.indirect_vreg.gather [hbm4b:s30+s2], $0x80, v2, vm0, $0xb8;
	[tilespmem:$0x1CC00] =	vst v63  }
0x1d5: {  	s7 =	simm.s32 $0x7400  }
0x1d6: {  	[tilespmem:s7], [sflag:$0x3] =	stream.indirect_vreg.gather [hbm4b:s31+s2], $0x80, v2, vm0, $0xb8;
	[tilespmem:$0x1CC00] =	vst v63  }
0x1d7: {  	s7 =	simm.s32 $0x7C00  }
0x1d8: {  	[tilespmem:s7], [sflag:$0x3] =	stream.indirect_vreg.gather [hbm4b:s1+s2], $0x80, v2, vm0, $0xb8;
	[tilespmem:$0x1CC00] =	vst v63  }
0x1d9: {  	s7 =	simm.s32 $0x8400  }
0x1da: {  	[tilespmem:s7], [sflag:$0x3] =	stream.indirect_vreg.gather [hbm4b:s8+s2], $0x80, v2, vm0, $0xb8;
	[tilespmem:$0x1CC00] =	vst v63  }
0x1db: {  	_ =	swait.ge [sflag:s22], $0x4000  }
0x1dc: {  	[sflag:s22] =	ssyncset.done $0x0  }
0x1dd: {  	s7 =	simm.s32 $0x14C00;
	s10 =	rddreg [dreg:$0x10];
	[sflag:s22] =	ssyncadd.s32 $0xFFFFC000  }
0x1de: {  	[hbm4b:s10+s6] =	stream.strided.scatter [tilespmem:s7], [sflag:$0xE], $0x4000, s0, s6, $0x38;
	[tilespmem:$0x1CC00] =	vst v63  }
0x1df: {  	_ =	swait.ge [sflag:s5], $0x4000  }
0x1e0: {  	[sflag:s5] =	ssyncset.done $0x0  }
0x1e1: {  	[sflag:s5] =	ssyncadd.s32 $0xFFFFC000  }
0x1e2: {  	v2 =	vld.msk [tilespmem:$0x800], $0x3;
	_ =	sdelay $0x4  }
0x1e3: {  	v3 =	vshll.u32 v2, $0x6  }
0x1e4: {  	v2 =	vand.u32 $0x7, v2;
	v3 =	vand.u32 $0xFFFFFE00, v3  }
0x1e5: {  	v2 =	vor.u32 v2, v3  }
0x1e6: {  	v2 =	vperm.xlane v2, v0;
	_ =	sdelay $0x1  }
0x1e7: {  	v2 =	vadd.s32 v1, v2;
	_ =	sdelay $0x4  }
0x1e8: {  	[tilespmem:s23], [sflag:$0x4] =	stream.indirect_vreg.gather [hbm4b:s4+s2], $0x80, v2, vm0, $0xb8;
	[tilespmem:$0x1CC00] =	vst v63  }
0x1e9: {  	s23 =	simm.s32 $0x9400  }
0x1ea: {  	[tilespmem:s23], [sflag:$0x4] =	stream.indirect_vreg.gather [hbm4b:s26+s2], $0x80, v2, vm0, $0xb8;
	[tilespmem:$0x1CC00] =	vst v63  }
0x1eb: {  	s23 =	simm.s32 $0x9C00  }
0x1ec: {  	[tilespmem:s23], [sflag:$0x4] =	stream.indirect_vreg.gather [hbm4b:s28+s2], $0x80, v2, vm0, $0xb8;
	[tilespmem:$0x1CC00] =	vst v63  }
0x1ed: {  	s23 =	simm.s32 $0xA400  }
0x1ee: {  	[tilespmem:s23], [sflag:$0x4] =	stream.indirect_vreg.gather [hbm4b:s29+s2], $0x80, v2, vm0, $0xb8;
	[tilespmem:$0x1CC00] =	vst v63  }
0x1ef: {  	s23 =	simm.s32 $0xAC00  }
0x1f0: {  	[tilespmem:s23], [sflag:$0x4] =	stream.indirect_vreg.gather [hbm4b:s30+s2], $0x80, v2, vm0, $0xb8;
	[tilespmem:$0x1CC00] =	vst v63  }
0x1f1: {  	s23 =	simm.s32 $0xB400  }
0x1f2: {  	[tilespmem:s23], [sflag:$0x4] =	stream.indirect_vreg.gather [hbm4b:s31+s2], $0x80, v2, vm0, $0xb8;
	[tilespmem:$0x1CC00] =	vst v63  }
0x1f3: {  	s23 =	simm.s32 $0xBC00  }
0x1f4: {  	[tilespmem:s23], [sflag:$0x4] =	stream.indirect_vreg.gather [hbm4b:s1+s2], $0x80, v2, vm0, $0xb8;
	[tilespmem:$0x1CC00] =	vst v63  }
0x1f5: {  	s23 =	simm.s32 $0xC400  }
0x1f6: {  	[tilespmem:s23], [sflag:$0x4] =	stream.indirect_vreg.gather [hbm4b:s8+s2], $0x80, v2, vm0, $0xb8;
	[tilespmem:$0x1CC00] =	vst v63  }
0x1f7: {  	_ =	swait.ge [sflag:s24], $0x4000  }
0x1f8: {  	[sflag:s24] =	ssyncset.done $0x0  }
0x1f9: {  	s15 =	simm.s32 $0x18C00;
	s23 =	rddreg [dreg:$0x11];
	[sflag:s24] =	ssyncadd.s32 $0xFFFFC000  }
0x1fa: {  	[hbm4b:s23+s6] =	stream.strided.scatter [tilespmem:s15], [sflag:$0xF], $0x4000, s0, s6, $0x38;
	[tilespmem:$0x1CC00] =	vst v63  }
0x1fb: {  	_ =	swait.ge [sflag:s25], $0x4000  }
0x1fc: {  	[sflag:s25] =	ssyncset.done $0x0  }
0x1fd: {  	[sflag:s25] =	ssyncadd.s32 $0xFFFFC000  }
0x1fe: {  	v2 =	vld.msk [tilespmem:$0x880], $0x3;
	_ =	sdelay $0x4  }
0x1ff: {  	v3 =	vshll.u32 v2, $0x6  }
0x200: {  	v2 =	vand.u32 $0x7, v2;
	v3 =	vand.u32 $0xFFFFFE00, v3  }
0x201: {  	v2 =	vor.u32 v2, v3  }
0x202: {  	v2 =	vperm.xlane v2, v0;
	_ =	sdelay $0x1  }
0x203: {  	v2 =	vadd.s32 v1, v2;
	_ =	sdelay $0x3  }
0x204: {  	s13 =	simm.s32 $0xCC00  }
0x205: {  	[tilespmem:s13], [sflag:$0x5] =	stream.indirect_vreg.gather [hbm4b:s4+s2], $0x80, v2, vm0, $0xb8;
	[tilespmem:$0x1CC00] =	vst v63  }
0x206: {  	s23 =	simm.s32 $0xD400  }
0x207: {  	[tilespmem:s23], [sflag:$0x5] =	stream.indirect_vreg.gather [hbm4b:s26+s2], $0x80, v2, vm0, $0xb8;
	[tilespmem:$0x1CC00] =	vst v63  }
0x208: {  	s13 =	simm.s32 $0xDC00  }
0x209: {  	[tilespmem:s13], [sflag:$0x5] =	stream.indirect_vreg.gather [hbm4b:s28+s2], $0x80, v2, vm0, $0xb8;
	[tilespmem:$0x1CC00] =	vst v63  }
0x20a: {  	s23 =	simm.s32 $0xE400  }
0x20b: {  	[tilespmem:s23], [sflag:$0x5] =	stream.indirect_vreg.gather [hbm4b:s29+s2], $0x80, v2, vm0, $0xb8;
	[tilespmem:$0x1CC00] =	vst v63  }
0x20c: {  	s13 =	simm.s32 $0xEC00  }
0x20d: {  	[tilespmem:s13], [sflag:$0x5] =	stream.indirect_vreg.gather [hbm4b:s30+s2], $0x80, v2, vm0, $0xb8;
	[tilespmem:$0x1CC00] =	vst v63  }
0x20e: {  	s23 =	simm.s32 $0xF400  }
0x20f: {  	[tilespmem:s23], [sflag:$0x5] =	stream.indirect_vreg.gather [hbm4b:s31+s2], $0x80, v2, vm0, $0xb8;
	[tilespmem:$0x1CC00] =	vst v63  }
0x210: {  	s13 =	simm.s32 $0xFC00  }
0x211: {  	[tilespmem:s13], [sflag:$0x5] =	stream.indirect_vreg.gather [hbm4b:s1+s2], $0x80, v2, vm0, $0xb8;
	[tilespmem:$0x1CC00] =	vst v63  }
0x212: {  	s23 =	simm.s32 $0x10400  }
0x213: {  	[tilespmem:s23], [sflag:$0x5] =	stream.indirect_vreg.gather [hbm4b:s8+s2], $0x80, v2, vm0, $0xb8;
	[tilespmem:$0x1CC00] =	vst v63  }
0x214: {  	_ =	swait.ge [sflag:s9], $0x4000  }
0x215: {  	[sflag:s9] =	ssyncset.done $0x0  }
0x216: {  	s23 =	simm.s32 $0xC00;
	s13 =	rddreg [dreg:$0x12];
	[sflag:s9] =	ssyncadd.s32 $0xFFFFC000  }
0x217: {  	[hbm4b:s13+s6] =	stream.strided.scatter [tilespmem:s23], [sflag:$0x9], $0x4000, s0, s6, $0x38;
	[tilespmem:$0x1CC00] =	vst v63  }
0x218: {  	_ =	swait.ge [sflag:s3], $0x4000  }
0x219: {  	[sflag:s3] =	ssyncset.done $0x0  }
0x21a: {  	[sflag:s3] =	ssyncadd.s32 $0xFFFFC000  }
0x21b: {  	v2 =	vld.msk [tilespmem:$0x900], $0x3;
	_ =	sdelay $0x4  }
0x21c: {  	v3 =	vshll.u32 v2, $0x6  }
0x21d: {  	v2 =	vand.u32 $0x7, v2;
	v3 =	vand.u32 $0xFFFFFE00, v3  }
0x21e: {  	v2 =	vor.u32 v2, v3  }
0x21f: {  	v2 =	vperm.xlane v2, v0;
	_ =	sdelay $0x1  }
0x220: {  	v2 =	vadd.s32 v1, v2;
	_ =	sdelay $0x3  }
0x221: {  	s13 =	simm.s32 $0x10C00  }
0x222: {  	[tilespmem:s13], [sflag:$0x6] =	stream.indirect_vreg.gather [hbm4b:s4+s2], $0x80, v2, vm0, $0xb8;
	[tilespmem:$0x1CC00] =	vst v63  }
0x223: {  	s13 =	simm.s32 $0x11400  }
0x224: {  	[tilespmem:s13], [sflag:$0x6] =	stream.indirect_vreg.gather [hbm4b:s26+s2], $0x80, v2, vm0, $0xb8;
	[tilespmem:$0x1CC00] =	vst v63  }
0x225: {  	s13 =	simm.s32 $0x11C00  }
0x226: {  	[tilespmem:s13], [sflag:$0x6] =	stream.indirect_vreg.gather [hbm4b:s28+s2], $0x80, v2, vm0, $0xb8;
	[tilespmem:$0x1CC00] =	vst v63  }
0x227: {  	s13 =	simm.s32 $0x12400  }
0x228: {  	[tilespmem:s13], [sflag:$0x6] =	stream.indirect_vreg.gather [hbm4b:s29+s2], $0x80, v2, vm0, $0xb8;
	[tilespmem:$0x1CC00] =	vst v63  }
0x229: {  	s13 =	simm.s32 $0x12C00  }
0x22a: {  	[tilespmem:s13], [sflag:$0x6] =	stream.indirect_vreg.gather [hbm4b:s30+s2], $0x80, v2, vm0, $0xb8;
	[tilespmem:$0x1CC00] =	vst v63  }
0x22b: {  	s13 =	simm.s32 $0x13400  }
0x22c: {  	[tilespmem:s13], [sflag:$0x6] =	stream.indirect_vreg.gather [hbm4b:s31+s2], $0x80, v2, vm0, $0xb8;
	[tilespmem:$0x1CC00] =	vst v63  }
0x22d: {  	s13 =	simm.s32 $0x13C00  }
0x22e: {  	[tilespmem:s13], [sflag:$0x6] =	stream.indirect_vreg.gather [hbm4b:s1+s2], $0x80, v2, vm0, $0xb8;
	[tilespmem:$0x1CC00] =	vst v63  }
0x22f: {  	s13 =	simm.s32 $0x14400  }
0x230: {  	[tilespmem:s13], [sflag:$0x6] =	stream.indirect_vreg.gather [hbm4b:s8+s2], $0x80, v2, vm0, $0xb8;
	[tilespmem:$0x1CC00] =	vst v63  }
0x231: {  	_ =	swait.ge [sflag:s11], $0x4000  }
0x232: {  	[sflag:s11] =	ssyncset.done $0x0  }
0x233: {  	s13 =	simm.s32 $0x4C00;
	s10 =	rddreg [dreg:$0x13];
	[sflag:s11] =	ssyncadd.s32 $0xFFFFC000  }
0x234: {  	[hbm4b:s10+s6] =	stream.strided.scatter [tilespmem:s13], [sflag:$0xA], $0x4000, s0, s6, $0x38;
	[tilespmem:$0x1CC00] =	vst v63  }
0x235: {  	_ =	swait.ge [sflag:s18], $0x4000  }
0x236: {  	[sflag:s18] =	ssyncset.done $0x0  }
0x237: {  	[sflag:s18] =	ssyncadd.s32 $0xFFFFC000  }
0x238: {  	v2 =	vld.msk [tilespmem:$0x980], $0x3;
	_ =	sdelay $0x4  }
0x239: {  	v3 =	vshll.u32 v2, $0x6  }
0x23a: {  	v2 =	vand.u32 $0x7, v2;
	v3 =	vand.u32 $0xFFFFFE00, v3  }
0x23b: {  	v2 =	vor.u32 v2, v3  }
0x23c: {  	v2 =	vperm.xlane v2, v0;
	_ =	sdelay $0x1  }
0x23d: {  	v2 =	vadd.s32 v1, v2;
	_ =	sdelay $0x3  }
0x23e: {  	s7 =	simm.s32 $0x14C00  }
0x23f: {  	[tilespmem:s7], [sflag:$0x7] =	stream.indirect_vreg.gather [hbm4b:s4+s2], $0x80, v2, vm0, $0xb8;
	[tilespmem:$0x1CC00] =	vst v63  }
0x240: {  	s7 =	simm.s32 $0x15400  }
0x241: {  	[tilespmem:s7], [sflag:$0x7] =	stream.indirect_vreg.gather [hbm4b:s26+s2], $0x80, v2, vm0, $0xb8;
	[tilespmem:$0x1CC00] =	vst v63  }
0x242: {  	s7 =	simm.s32 $0x15C00  }
0x243: {  	[tilespmem:s7], [sflag:$0x7] =	stream.indirect_vreg.gather [hbm4b:s28+s2], $0x80, v2, vm0, $0xb8;
	[tilespmem:$0x1CC00] =	vst v63  }
0x244: {  	s7 =	simm.s32 $0x16400  }
0x245: {  	[tilespmem:s7], [sflag:$0x7] =	stream.indirect_vreg.gather [hbm4b:s29+s2], $0x80, v2, vm0, $0xb8;
	[tilespmem:$0x1CC00] =	vst v63  }
0x246: {  	s7 =	simm.s32 $0x16C00  }
0x247: {  	[tilespmem:s7], [sflag:$0x7] =	stream.indirect_vreg.gather [hbm4b:s30+s2], $0x80, v2, vm0, $0xb8;
	[tilespmem:$0x1CC00] =	vst v63  }
0x248: {  	s7 =	simm.s32 $0x17400  }
0x249: {  	[tilespmem:s7], [sflag:$0x7] =	stream.indirect_vreg.gather [hbm4b:s31+s2], $0x80, v2, vm0, $0xb8;
	[tilespmem:$0x1CC00] =	vst v63  }
0x24a: {  	s7 =	simm.s32 $0x17C00  }
0x24b: {  	[tilespmem:s7], [sflag:$0x7] =	stream.indirect_vreg.gather [hbm4b:s1+s2], $0x80, v2, vm0, $0xb8;
	[tilespmem:$0x1CC00] =	vst v63  }
0x24c: {  	s7 =	simm.s32 $0x18400  }
0x24d: {  	[tilespmem:s7], [sflag:$0x7] =	stream.indirect_vreg.gather [hbm4b:s8+s2], $0x80, v2, vm0, $0xb8;
	[tilespmem:$0x1CC00] =	vst v63  }
0x24e: {  	_ =	swait.ge [sflag:s14], $0x4000  }
0x24f: {  	[sflag:s14] =	ssyncset.done $0x0  }
0x250: {  	s7 =	simm.s32 $0x8C00;
	s10 =	rddreg [dreg:$0x14];
	[sflag:s14] =	ssyncadd.s32 $0xFFFFC000  }
0x251: {  	[hbm4b:s10+s6] =	stream.strided.scatter [tilespmem:s7], [sflag:$0xB], $0x4000, s0, s6, $0x38;
	[tilespmem:$0x1CC00] =	vst v63  }
0x252: {  	_ =	swait.ge [sflag:s16], $0x4000  }
0x253: {  	[sflag:s16] =	ssyncset.done $0x0  }
0x254: {  	[sflag:s16] =	ssyncadd.s32 $0xFFFFC000  }
0x255: {  	v2 =	vld.msk [tilespmem:$0xA00], $0x3;
	_ =	sdelay $0x4  }
0x256: {  	v3 =	vshll.u32 v2, $0x6  }
0x257: {  	v2 =	vand.u32 $0x7, v2;
	v3 =	vand.u32 $0xFFFFFE00, v3  }
0x258: {  	v2 =	vor.u32 v2, v3  }
0x259: {  	v2 =	vperm.xlane v2, v0;
	_ =	sdelay $0x1  }
0x25a: {  	v2 =	vadd.s32 v1, v2;
	_ =	sdelay $0x3  }
0x25b: {  	s15 =	simm.s32 $0x18C00  }
0x25c: {  	[tilespmem:s15], [sflag:$0x8] =	stream.indirect_vreg.gather [hbm4b:s4+s2], $0x80, v2, vm0, $0xb8;
	[tilespmem:$0x1CC00] =	vst v63  }
0x25d: {  	s10 =	simm.s32 $0x19400  }
0x25e: {  	[tilespmem:s10], [sflag:$0x8] =	stream.indirect_vreg.gather [hbm4b:s26+s2], $0x80, v2, vm0, $0xb8;
	[tilespmem:$0x1CC00] =	vst v63  }
0x25f: {  	s10 =	simm.s32 $0x19C00  }
0x260: {  	[tilespmem:s10], [sflag:$0x8] =	stream.indirect_vreg.gather [hbm4b:s28+s2], $0x80, v2, vm0, $0xb8;
	[tilespmem:$0x1CC00] =	vst v63  }
0x261: {  	s10 =	simm.s32 $0x1A400  }
0x262: {  	[tilespmem:s10], [sflag:$0x8] =	stream.indirect_vreg.gather [hbm4b:s29+s2], $0x80, v2, vm0, $0xb8;
	[tilespmem:$0x1CC00] =	vst v63  }
0x263: {  	s10 =	simm.s32 $0x1AC00  }
0x264: {  	[tilespmem:s10], [sflag:$0x8] =	stream.indirect_vreg.gather [hbm4b:s30+s2], $0x80, v2, vm0, $0xb8;
	[tilespmem:$0x1CC00] =	vst v63  }
0x265: {  	s10 =	simm.s32 $0x1B400  }
0x266: {  	[tilespmem:s10], [sflag:$0x8] =	stream.indirect_vreg.gather [hbm4b:s31+s2], $0x80, v2, vm0, $0xb8;
	[tilespmem:$0x1CC00] =	vst v63  }
0x267: {  	s10 =	simm.s32 $0x1BC00  }
0x268: {  	[tilespmem:s10], [sflag:$0x8] =	stream.indirect_vreg.gather [hbm4b:s1+s2], $0x80, v2, vm0, $0xb8;
	[tilespmem:$0x1CC00] =	vst v63  }
0x269: {  	s10 =	simm.s32 $0x1C400  }
0x26a: {  	[tilespmem:s10], [sflag:$0x8] =	stream.indirect_vreg.gather [hbm4b:s8+s2], $0x80, v2, vm0, $0xb8;
	[tilespmem:$0x1CC00] =	vst v63  }
0x26b: {  	_ =	swait.ge [sflag:s20], $0x4000  }
0x26c: {  	[sflag:s20] =	ssyncset.done $0x0  }
0x26d: {  	s7 =	rddreg [dreg:$0x15];
	[sflag:s20] =	ssyncadd.s32 $0xFFFFC000;
	s20 =	simm.s32 $0xCC00  }
0x26e: {  	[hbm4b:s7+s6] =	stream.strided.scatter [tilespmem:s20], [sflag:$0xC], $0x4000, s0, s6, $0x38;
	[tilespmem:$0x1CC00] =	vst v63  }
0x26f: {  	_ =	swait.ge [sflag:s17], $0x4000  }
0x270: {  	[sflag:s17] =	ssyncset.done $0x0  }
0x271: {  	[sflag:s17] =	ssyncadd.s32 $0xFFFFC000  }
0x272: {  	v2 =	vld.msk [tilespmem:$0xA80], $0x3;
	_ =	sdelay $0x4  }
0x273: {  	v3 =	vshll.u32 v2, $0x6  }
0x274: {  	v2 =	vand.u32 $0x7, v2;
	v3 =	vand.u32 $0xFFFFFE00, v3  }
0x275: {  	v2 =	vor.u32 v2, v3  }
0x276: {  	v2 =	vperm.xlane v2, v0;
	_ =	sdelay $0x1  }
0x277: {  	v2 =	vadd.s32 v1, v2;
	_ =	sdelay $0x3  }
0x278: {  	s23 =	simm.s32 $0xC00  }
0x279: {  	[tilespmem:s23], [sflag:$0x2] =	stream.indirect_vreg.gather [hbm4b:s4+s2], $0x80, v2, vm0, $0xb8;
	[tilespmem:$0x1CC00] =	vst v63  }
0x27a: {  	s23 =	simm.s32 $0x1400  }
0x27b: {  	[tilespmem:s23], [sflag:$0x2] =	stream.indirect_vreg.gather [hbm4b:s26+s2], $0x80, v2, vm0, $0xb8;
	[tilespmem:$0x1CC00] =	vst v63  }
0x27c: {  	s10 =	simm.s32 $0x1C00  }
0x27d: {  	[tilespmem:s10], [sflag:$0x2] =	stream.indirect_vreg.gather [hbm4b:s28+s2], $0x80, v2, vm0, $0xb8;
	[tilespmem:$0x1CC00] =	vst v63  }
0x27e: {  	s23 =	simm.s32 $0x2400  }
0x27f: {  	[tilespmem:s23], [sflag:$0x2] =	stream.indirect_vreg.gather [hbm4b:s29+s2], $0x80, v2, vm0, $0xb8;
	[tilespmem:$0x1CC00] =	vst v63  }
0x280: {  	s10 =	simm.s32 $0x2C00  }
0x281: {  	[tilespmem:s10], [sflag:$0x2] =	stream.indirect_vreg.gather [hbm4b:s30+s2], $0x80, v2, vm0, $0xb8;
	[tilespmem:$0x1CC00] =	vst v63  }
0x282: {  	s23 =	simm.s32 $0x3400  }
0x283: {  	[tilespmem:s23], [sflag:$0x2] =	stream.indirect_vreg.gather [hbm4b:s31+s2], $0x80, v2, vm0, $0xb8;
	[tilespmem:$0x1CC00] =	vst v63  }
0x284: {  	s10 =	simm.s32 $0x3C00  }
0x285: {  	[tilespmem:s10], [sflag:$0x2] =	stream.indirect_vreg.gather [hbm4b:s1+s2], $0x80, v2, vm0, $0xb8;
	[tilespmem:$0x1CC00] =	vst v63  }
0x286: {  	s23 =	simm.s32 $0x4400  }
0x287: {  	[tilespmem:s23], [sflag:$0x2] =	stream.indirect_vreg.gather [hbm4b:s8+s2], $0x80, v2, vm0, $0xb8;
	[tilespmem:$0x1CC00] =	vst v63  }
0x288: {  	_ =	swait.ge [sflag:s21], $0x4000  }
0x289: {  	[sflag:s21] =	ssyncset.done $0x0  }
0x28a: {  	s23 =	simm.s32 $0x10C00;
	s7 =	rddreg [dreg:$0x16];
	[sflag:s21] =	ssyncadd.s32 $0xFFFFC000  }
0x28b: {  	[hbm4b:s7+s6] =	stream.strided.scatter [tilespmem:s23], [sflag:$0xD], $0x4000, s0, s6, $0x38;
	[tilespmem:$0x1CC00] =	vst v63  }
0x28c: {  	_ =	swait.ge [sflag:s19], $0x4000  }
0x28d: {  	[sflag:s19] =	ssyncset.done $0x0  }
0x28e: {  	[sflag:s19] =	ssyncadd.s32 $0xFFFFC000  }
0x28f: {  	v2 =	vld.msk [tilespmem:$0xB00], $0x3;
	_ =	sdelay $0x4  }
0x290: {  	v3 =	vshll.u32 v2, $0x6  }
0x291: {  	v2 =	vand.u32 $0x7, v2;
	v3 =	vand.u32 $0xFFFFFE00, v3  }
0x292: {  	v2 =	vor.u32 v2, v3  }
0x293: {  	v2 =	vperm.xlane v2, v0;
	_ =	sdelay $0x1  }
0x294: {  	v2 =	vadd.s32 v1, v2;
	_ =	sdelay $0x3  }
0x295: {  	s13 =	simm.s32 $0x4C00  }
0x296: {  	[tilespmem:s13], [sflag:$0x3] =	stream.indirect_vreg.gather [hbm4b:s4+s2], $0x80, v2, vm0, $0xb8;
	[tilespmem:$0x1CC00] =	vst v63  }
0x297: {  	s10 =	simm.s32 $0x5400  }
0x298: {  	[tilespmem:s10], [sflag:$0x3] =	stream.indirect_vreg.gather [hbm4b:s26+s2], $0x80, v2, vm0, $0xb8;
	[tilespmem:$0x1CC00] =	vst v63  }
0x299: {  	s21 =	simm.s32 $0x5C00  }
0x29a: {  	[tilespmem:s21], [sflag:$0x3] =	stream.indirect_vreg.gather [hbm4b:s28+s2], $0x80, v2, vm0, $0xb8;
	[tilespmem:$0x1CC00] =	vst v63  }
0x29b: {  	s23 =	simm.s32 $0x6400  }
0x29c: {  	[tilespmem:s23], [sflag:$0x3] =	stream.indirect_vreg.gather [hbm4b:s29+s2], $0x80, v2, vm0, $0xb8;
	[tilespmem:$0x1CC00] =	vst v63  }
0x29d: {  	s10 =	simm.s32 $0x6C00  }
0x29e: {  	[tilespmem:s10], [sflag:$0x3] =	stream.indirect_vreg.gather [hbm4b:s30+s2], $0x80, v2, vm0, $0xb8;
	[tilespmem:$0x1CC00] =	vst v63  }
0x29f: {  	s21 =	simm.s32 $0x7400  }
0x2a0: {  	[tilespmem:s21], [sflag:$0x3] =	stream.indirect_vreg.gather [hbm4b:s31+s2], $0x80, v2, vm0, $0xb8;
	[tilespmem:$0x1CC00] =	vst v63  }
0x2a1: {  	s23 =	simm.s32 $0x7C00  }
0x2a2: {  	[tilespmem:s23], [sflag:$0x3] =	stream.indirect_vreg.gather [hbm4b:s1+s2], $0x80, v2, vm0, $0xb8;
	[tilespmem:$0x1CC00] =	vst v63  }
0x2a3: {  	s10 =	simm.s32 $0x8400  }
0x2a4: {  	[tilespmem:s10], [sflag:$0x3] =	stream.indirect_vreg.gather [hbm4b:s8+s2], $0x80, v2, vm0, $0xb8;
	[tilespmem:$0x1CC00] =	vst v63  }
0x2a5: {  	_ =	swait.ge [sflag:s22], $0x4000  }
0x2a6: {  	[sflag:s22] =	ssyncset.done $0x0  }
0x2a7: {  	s21 =	rddreg [dreg:$0x17];
	[sflag:s22] =	ssyncadd.s32 $0xFFFFC000;
	s22 =	simm.s32 $0x14C00  }
0x2a8: {  	[hbm4b:s21+s6] =	stream.strided.scatter [tilespmem:s22], [sflag:$0xE], $0x4000, s0, s6, $0x38;
	[tilespmem:$0x1CC00] =	vst v63  }
0x2a9: {  	_ =	swait.ge [sflag:s5], $0x4000  }
0x2aa: {  	[sflag:s5] =	ssyncset.done $0x0  }
0x2ab: {  	[sflag:s5] =	ssyncadd.s32 $0xFFFFC000  }
0x2ac: {  	v2 =	vld.msk [tilespmem:$0xB80], $0x3;
	_ =	sdelay $0x4  }
0x2ad: {  	v3 =	vshll.u32 v2, $0x6  }
0x2ae: {  	v2 =	vand.u32 $0x7, v2;
	v3 =	vand.u32 $0xFFFFFE00, v3  }
0x2af: {  	v2 =	vor.u32 v2, v3  }
0x2b0: {  	v2 =	vperm.xlane v2, v0;
	_ =	sdelay $0x1  }
0x2b1: {  	v2 =	vadd.s32 v1, v2;
	_ =	sdelay $0x3  }
0x2b2: {  	s10 =	simm.s32 $0x8C00  }
0x2b3: {  	[tilespmem:s10], [sflag:$0x4] =	stream.indirect_vreg.gather [hbm4b:s4+s2], $0x80, v2, vm0, $0xb8;
	[tilespmem:$0x1CC00] =	vst v63  }
0x2b4: {  	s23 =	simm.s32 $0x9400  }
0x2b5: {  	[tilespmem:s23], [sflag:$0x4] =	stream.indirect_vreg.gather [hbm4b:s26+s2], $0x80, v2, vm0, $0xb8;
	[tilespmem:$0x1CC00] =	vst v63  }
0x2b6: {  	s26 =	simm.s32 $0x9C00  }
0x2b7: {  	[tilespmem:s26], [sflag:$0x4] =	stream.indirect_vreg.gather [hbm4b:s28+s2], $0x80, v2, vm0, $0xb8;
	[tilespmem:$0x1CC00] =	vst v63  }
0x2b8: {  	s28 =	simm.s32 $0xA400  }
0x2b9: {  	[tilespmem:s28], [sflag:$0x4] =	stream.indirect_vreg.gather [hbm4b:s29+s2], $0x80, v2, vm0, $0xb8;
	[tilespmem:$0x1CC00] =	vst v63  }
0x2ba: {  	s21 =	simm.s32 $0xAC00  }
0x2bb: {  	[tilespmem:s21], [sflag:$0x4] =	stream.indirect_vreg.gather [hbm4b:s30+s2], $0x80, v2, vm0, $0xb8;
	[tilespmem:$0x1CC00] =	vst v63  }
0x2bc: {  	s22 =	simm.s32 $0xB400  }
0x2bd: {  	[tilespmem:s22], [sflag:$0x4] =	stream.indirect_vreg.gather [hbm4b:s31+s2], $0x80, v2, vm0, $0xb8;
	[tilespmem:$0x1CC00] =	vst v63  }
0x2be: {  	s23 =	simm.s32 $0xBC00  }
0x2bf: {  	[tilespmem:s23], [sflag:$0x4] =	stream.indirect_vreg.gather [hbm4b:s1+s2], $0x80, v2, vm0, $0xb8;
	[tilespmem:$0x1CC00] =	vst v63  }
0x2c0: {  	s26 =	simm.s32 $0xC400  }
0x2c1: {  	[tilespmem:s26], [sflag:$0x4] =	stream.indirect_vreg.gather [hbm4b:s8+s2], $0x80, v2, vm0, $0xb8;
	[tilespmem:$0x1CC00] =	vst v63  }
0x2c2: {  	_ =	swait.ge [sflag:s24], $0x4000  }
0x2c3: {  	[sflag:s24] =	ssyncset.done $0x0  }
0x2c4: {  	s15 =	simm.s32 $0x18C00;
	s28 =	rddreg [dreg:$0x18];
	[sflag:s24] =	ssyncadd.s32 $0xFFFFC000  }
0x2c5: {  	[hbm4b:s28+s6] =	stream.strided.scatter [tilespmem:s15], [sflag:$0xF], $0x4000, s0, s6, $0x38;
	[tilespmem:$0x1CC00] =	vst v63  }
0x2c6: {  	_ =	swait.ge [sflag:s9], $0x4000  }
0x2c7: {  	[sflag:s9] =	ssyncset.done $0x0  }
0x2c8: {  	s20 =	simm.s32 $0xC00;
	s29 =	rddreg [dreg:$0x19];
	[sflag:s9] =	ssyncadd.s32 $0xFFFFC000  }
0x2c9: {  	[hbm4b:s29+s6] =	stream.strided.scatter [tilespmem:s20], [sflag:$0x9], $0x4000, s0, s6, $0x38;
	[tilespmem:$0x1CC00] =	vst v63  }
0x2ca: {  	_ =	swait.ge [sflag:s11], $0x4000  }
0x2cb: {  	[sflag:s11] =	ssyncset.done $0x0  }
0x2cc: {  	s30 =	rddreg [dreg:$0x1a];
	[sflag:s11] =	ssyncadd.s32 $0xFFFFC000  }
0x2cd: {  	[hbm4b:s30+s6] =	stream.strided.scatter [tilespmem:s13], [sflag:$0xA], $0x4000, s0, s6, $0x38;
	[tilespmem:$0x1CC00] =	vst v63  }
0x2ce: {  	_ =	swait.ge [sflag:s14], $0x4000  }
0x2cf: {  	[sflag:s14] =	ssyncset.done $0x0  }
0x2d0: {  	s31 =	rddreg [dreg:$0x1b];
	[sflag:s14] =	ssyncadd.s32 $0xFFFFC000  }
0x2d1: {  	[hbm4b:s31+s6] =	stream.strided.scatter [tilespmem:s10], [sflag:$0xB], $0x4000, s0, s6, $0x38;
	[tilespmem:$0x1CC00] =	vst v63  }
0x2d2: {  	_ =	swait.ge [sflag:s17], $0x4000  }
0x2d3: {  	[sflag:s17] =	ssyncset.done $0x0  }
0x2d4: {  	[sflag:s17] =	ssyncadd.s32 $0xFFFFC000  }
0x2d5: {  	_ =	swait.ge [sflag:s19], $0x4000  }
0x2d6: {  	[sflag:s19] =	ssyncset.done $0x0  }
0x2d7: {  	[sflag:s19] =	ssyncadd.s32 $0xFFFFC000  }
0x2d8: {  	_ =	swait.ge [sflag:s5], $0x4000  }
0x2d9: {  	[sflag:s5] =	ssyncset.done $0x0  }
0x2da: {  	[sflag:s5] =	ssyncadd.s32 $0xFFFFC000  }
0x2db: {  	_ =	swait.ge [sflag:s25], $0x4000  }
0x2dc: {  	[sflag:s25] =	ssyncset.done $0x0  }
0x2dd: {  	[sflag:s25] =	ssyncadd.s32 $0xFFFFC000  }
0x2de: {  	_ =	swait.ge [sflag:s3], $0x4000  }
0x2df: {  	[sflag:s3] =	ssyncset.done $0x0  }
0x2e0: {  	[sflag:s3] =	ssyncadd.s32 $0xFFFFC000  }
0x2e1: {  	p0 =	sne.s32 s12, $0x1;
	_ =	swait.ge [sflag:s18], $0x4000  }
.Ltmp0:
0x2e2: {  	[sflag:s18] =	ssyncset.done $0x0;
	(pc) =	sbr.rel @p0 .LBB2_1-.Ltmp0, $4  }
0x2e3: {  	[sflag:s18] =	ssyncadd.s32 $0xFFFFC000  }
0x2e4: {  	_ =	swait.ge [sflag:s16], $0x4000  }
0x2e5: {  	[sflag:s16] =	ssyncset.done $0x0  }
0x2e6: {  	s12 =	sadd.s32 $0xFFFFFFFF, s12;
	[sflag:s16] =	ssyncadd.s32 $0xFFFFC000  }
0x2e7: {  	_ =	sfence.sel $0x180000  }
0x2e8: {  	[bflag:$0x0] =	sbarrier.arrive $0xFFFF  }
0x2e9: {  	_ =	strace $0x90000047  }
0x2ea: {  	s0 =	stileid.u32;
	[bflag:$0x2] =	sbarrier.arrive $0xFFFF  }
0x2eb: {  	p0 =	sne.s32 s0, $0x0;
	s0 =	rddreg [dreg:$0x3]  }
0x2ec: {  	s0 =	sadd.s32 @!p0 $0x100000, s0  }
0x2ed: {  	[sflag:s0] =	ssyncadd.tile.s32 @!p0 $0x1;
	_ =	shalt  }
.Lfunc_end2:
_tile_overlayer_lowered:
.L_overlay_start_2:
0x2ee: {  	(tag) =	ssettag $0x2  }
0x2ef: {  	s0 =	rddreg [dreg:$0x0];
	s2 =	stileid.u32  }
0x2f0: {  	s1 =	rddreg [dreg:$0x1];
	p0 =	sne.s32 s2, $0x0  }
0x2f1: {  	s3 =	rddreg [dreg:$0x2];
	[bflag:$0x3] =	sbarrier.arrive $0xFFFF;
	s2 =	simm.s32 @!p0 $0x1C10  }
0x2f2: {  	[timem:s3], [sflag:s2] =	dma.local @!p0 [hbm:s0], s1  }
0x2f3: {  	s0 =	simm.s32 @!p0 $0x10  }
0x2f4: {  	_ =	swait.ge @!p0 [sflag:s0], s1  }
0x2f5: {  	s1 =	ssub.s32 @!p0 $0x0, s1;
	[sflag:s0] =	ssyncset.done @!p0 $0x0  }
0x2f6: {  	[sflag:s0] =	ssyncadd.s32 @!p0 s1  }
0x2f7: {  	[bflag:$0x3] =	sbarrier.arrive $0xFFFF  }
0x2f8: {  	_ =	shalt  }

</sc_bundles>
